<compile_context>
chip_gen: v7x
topology: tpu7x:2x2x1
jax: 0.10.2.dev20260603
libtpu: 0.0.44.dev20260713+nightly
codegen_flags: <defaults>
</compile_context>

<pallas_src>
import functools

import jax
import jax.numpy as jnp
from jax import lax
from jax.experimental import pallas as pl
from jax.experimental.pallas import tpu as pltpu
from jax.experimental.pallas import tpu_sc as plsc

_PRETRAINED_SIZE = 100000
_TRAINABLE_SIZE = 1000
_EMBED_DIM = 128
_BATCH = 4096
_HIST = 200

_N = _BATCH * _HIST

_info = plsc.get_sparse_core_info()
_NC = _info.num_cores
_NS = _info.num_subcores
_NW = _NC * _NS
_B_PER_W = _N // _NW
_CHUNK = 128
_NCHUNK = _B_PER_W // _CHUNK

_mesh = plsc.VectorSubcoreMesh(core_axis_name="c", subcore_axis_name="s")


@functools.partial(
    pl.kernel,
    mesh=_mesh,
    out_type=jax.ShapeDtypeStruct((_N, _EMBED_DIM), jnp.float32),
    scratch_types=[
        pltpu.VMEM((_B_PER_W,), jnp.int32),
        pltpu.VMEM((4, _CHUNK, _EMBED_DIM), jnp.float32),
        pltpu.VMEM_SHARED((_NS, 2, _CHUNK, _EMBED_DIM), jnp.float32),
        pltpu.SemaphoreType.DMA,
        pltpu.SemaphoreType.DMA,
        pltpu.SemaphoreType.DMA,
        pltpu.SemaphoreType.DMA,
        pltpu.SemaphoreType.DMA,
        pltpu.SemaphoreType.DMA,
        pltpu.SemaphoreType.DMA,
        pltpu.SemaphoreType.DMA,
    ],
)
def _gather_kernel(table_hbm, idx_hbm, out_hbm, idx_v, rows_v, rows_s,
                   sg0, sg1, sg2, sg3, sx, swd, sws0, sws1):
    sid = lax.axis_index("s")
    wid = sid * _NC + lax.axis_index("c")
    base = wid * _B_PER_W
    sg = (sg0, sg1, sg2, sg3)
    sws = (sws0, sws1)

    pltpu.sync_copy(idx_hbm.at[pl.ds(base, _B_PER_W)], idx_v)

    def fire_gather(i, b):
        pltpu.async_copy(
            table_hbm.at[idx_v.at[pl.ds(i * _CHUNK, _CHUNK)]],
            rows_v.at[b], sg[b])

    def wait_gather(b):
        pltpu.make_async_copy(
            table_hbm.at[pl.ds(0, _CHUNK)], rows_v.at[b], sg[b]).wait()

    def fire_direct(i, b):
        pltpu.async_copy(
            rows_v.at[b], out_hbm.at[pl.ds(base + i * _CHUNK, _CHUNK)],
            swd)

    def wait_direct(b):
        pltpu.make_async_copy(
            rows_v.at[b], out_hbm.at[pl.ds(0, _CHUNK)], swd).wait()

    def fire_stage(b, s):
        pltpu.async_copy(rows_v.at[b], rows_s.at[sid, s], sx)

    def wait_stage(b, s):
        pltpu.make_async_copy(rows_v.at[b], rows_s.at[sid, s], sx).wait()

    def fire_ws(i, s):
        pltpu.async_copy(
            rows_s.at[sid, s],
            out_hbm.at[pl.ds(base + i * _CHUNK, _CHUNK)], sws[s])

    def wait_ws(s):
        pltpu.make_async_copy(
            rows_s.at[sid, s], out_hbm.at[pl.ds(0, _CHUNK)],
            sws[s]).wait()

    for b in range(4):
        fire_gather(b, b)

    slot_for_k = {1: 0, 2: 1, 3: 0, 5: 1, 6: 0, 7: 1}

    def body(j, carry):
        for k in range(8):
            c = 8 * j + k
            b = k % 4
            wait_gather(b)
            if k % 4 == 0:
                fire_direct(c, b)
                wait_direct(b)
            else:
                s = slot_for_k[k]
                if k in (1, 2):
                    @pl.when(j > 0)
                    def _():
                        wait_ws(s)
                else:
                    wait_ws(s)
                fire_stage(b, s)
                wait_stage(b, s)
                fire_ws(c, s)

            @pl.when(c + 4 < _NCHUNK)
            def _():
                fire_gather(c + 4, b)

        return carry

    lax.fori_loop(0, _NCHUNK // 8, body, 0)
    wait_ws(0)
    wait_ws(1)


def kernel(idx, pretrained_w, trainable_w):
    table = jnp.concatenate([pretrained_w, trainable_w], axis=0)
    flat_idx = idx.reshape(-1).astype(jnp.int32)
    out = _gather_kernel(table, flat_idx)
    return out.reshape(_BATCH, _HIST, _EMBED_DIM)

# --- scband reference (transcript-rebuilt; emitter-appended) ---
"""Pipeline reference for scband-composed-embedding-37486474560243 (READ-ONLY COPY).

The authoritative reference and input builder live on the scoring server;
editing this copy changes nothing except your own understanding.
"""

import jax, jax.numpy as jnp
import numpy as np

PRETRAINED_SIZE = 100000
TRAINABLE_SIZE = 1000
EMBED_DIM = 128
BATCH = 4096
HIST = 200


def setup_inputs(seed: int = 0) -> dict:
    key = jax.random.key(seed)
    k_idx, k_pre, k_tr = jax.random.split(key, 3)
    idx = jax.random.randint(k_idx, (BATCH, HIST), 0, PRETRAINED_SIZE + TRAINABLE_SIZE)
    pretrained_w = jax.random.normal(k_pre, (PRETRAINED_SIZE, EMBED_DIM), dtype=jnp.float32)
    trainable_w = jax.random.normal(k_tr, (TRAINABLE_SIZE, EMBED_DIM), dtype=jnp.float32)
    return {"idx": idx, "pretrained_w": pretrained_w, "trainable_w": trainable_w}


def reference(idx, pretrained_w, trainable_w):
    # mask = idx >= pretrained_size
    mask = idx >= PRETRAINED_SIZE
    # pretrained_idx = idx.clone(); pretrained_idx[mask] = 0
    pretrained_idx = jnp.where(mask, 0, idx)
    # trainable_idx = idx - pretrained_size (only masked entries are ever read)
    trainable_idx = jnp.where(mask, idx - PRETRAINED_SIZE, 0)
    emb_pre = jnp.take(pretrained_w, pretrained_idx, axis=0)
    emb_tr = jnp.take(trainable_w, trainable_idx, axis=0)
    # embeddings[mask] = trainable(trainable_idx[mask])  -> masked overwrite
    embeddings = jnp.where(mask[..., None], emb_tr, emb_pre)
    return embeddings

if __name__ == "__main__":
    import jax
    _d = setup_inputs()
    print(jax.jit(kernel)(*tuple(_d.values())))

</pallas_src>

<mosaic_0001>
#map = affine_map<(d0, d1) -> (0, 0)>
#map1 = affine_map<(d0, d1) -> (0)>
module attributes {stable_mosaic.version = 14 : i64} {
  func.func @_gather_kernel(%arg0: i32, %arg1: i32, %arg2: memref<101000x128xf32, #tpu.memory_space<hbm>>, %arg3: memref<819200xi32, #tpu.memory_space<hbm>>, %arg4: memref<819200x128xf32, #tpu.memory_space<hbm>>, %arg5: memref<25600xi32, #tpu.memory_space<vmem>>, %arg6: memref<4x128x128xf32, #tpu.memory_space<vmem>>, %arg7: memref<16x2x128x128xf32, #tpu.memory_space<vmem_shared>>, %arg8: memref<!tpu.dma_semaphore, #tpu.memory_space<semaphore_mem>>, %arg9: memref<!tpu.dma_semaphore, #tpu.memory_space<semaphore_mem>>, %arg10: memref<!tpu.dma_semaphore, #tpu.memory_space<semaphore_mem>>, %arg11: memref<!tpu.dma_semaphore, #tpu.memory_space<semaphore_mem>>, %arg12: memref<!tpu.dma_semaphore, #tpu.memory_space<semaphore_mem>>, %arg13: memref<!tpu.dma_semaphore, #tpu.memory_space<semaphore_mem>>, %arg14: memref<!tpu.dma_semaphore, #tpu.memory_space<semaphore_mem>>, %arg15: memref<!tpu.dma_semaphore, #tpu.memory_space<semaphore_mem>>) attributes {dimension_semantics = [#tpu.dimension_semantics<core_parallel>, #tpu.dimension_semantics<subcore_parallel>], iteration_bounds = array<i64: 2, 16>, scalar_prefetch = 0 : i64, scratch_operands = 11 : i64, tpu.core_type = #tpu.core_type<sc_vector_subcore>, window_params = [{transform_indices = #map}, {transform_indices = #map1}, {transform_indices = #map}]} {
    %mul3A = arith.constant 2 : i32
    %mul3A_0 = arith.muli %arg1, %mul3A : i32
    %add3A = arith.addi %mul3A_0, %arg0 : i32
    %mul3A_1 = arith.constant 25600 : i32
    %mul3A_2 = arith.muli %add3A, %mul3A_1 : i32
    "tpu.region"() ({
      %run_scoped3A = tpu.sem_alloc : memref<!tpu.dma_semaphore, #tpu.memory_space<semaphore_mem>>
      %dma_start3A_62 = tpu.memref_slice %arg3[%mul3A_2] : memref<819200xi32, #tpu.memory_space<hbm>> -> memref<25600xi32, #tpu.memory_space<hbm>>
      %dma_start3A_63 = tpu.memref_slice %arg3[%mul3A_2] : memref<819200xi32, #tpu.memory_space<hbm>> -> memref<25600xi32, #tpu.memory_space<hbm>>
      tpu.enqueue_dma source(%dma_start3A_63 : memref<25600xi32, #tpu.memory_space<hbm>>) target(%arg5 : memref<25600xi32, #tpu.memory_space<vmem>>) target_semaphore(%run_scoped3A : memref<!tpu.dma_semaphore, #tpu.memory_space<semaphore_mem>>)
      %dma_wait3A_64 = tpu.memref_slice %arg3[%mul3A_2] : memref<819200xi32, #tpu.memory_space<hbm>> -> memref<25600xi32, #tpu.memory_space<hbm>>
      %dma_wait3A_65 = tpu.memref_slice %arg3[%mul3A_2] : memref<819200xi32, #tpu.memory_space<hbm>> -> memref<25600xi32, #tpu.memory_space<hbm>>
      tpu.wait_dma2 semaphore(%run_scoped3A : memref<!tpu.dma_semaphore, #tpu.memory_space<semaphore_mem>>) src(%dma_wait3A_65 : memref<25600xi32, #tpu.memory_space<hbm>>) dst(%arg5 : memref<25600xi32, #tpu.memory_space<vmem>>)
      tpu.yield
    }) : () -> ()
    %dma_start3A = arith.constant 0 : i32
    %dma_start3A_3 = arith.constant 0 : i32
    %dma_start3A_4 = arith.constant 0 : i32
    %dma_start3A_5 = tpu.memref_slice %arg6[%dma_start3A, %dma_start3A_3, %dma_start3A_4] : memref<4x128x128xf32, #tpu.memory_space<vmem>> -> memref<1x128x128xf32, #tpu.memory_space<vmem>>
    %dma_start3A_6 = tpu.memref_squeeze %dma_start3A_5 : memref<1x128x128xf32, #tpu.memory_space<vmem>> -> memref<128x128xf32, #tpu.memory_space<vmem>>
    %dma_start3A_7 = arith.constant 0 : i32
    %dma_start3A_8 = tpu.memref_slice %arg5[%dma_start3A_7] : memref<25600xi32, #tpu.memory_space<vmem>> -> memref<128xi32, #tpu.memory_space<vmem>>
    %dma_start3A_9 = arith.constant 0 : i32
    %dma_start3A_10 = arith.constant 0 : i32
    %dma_start3A_11 = tpu.memref_slice %arg2[%dma_start3A_9, %dma_start3A_10] : memref<101000x128xf32, #tpu.memory_space<hbm>> -> memref<101000x128xf32, #tpu.memory_space<hbm>>
    tpu.enqueue_indirect_dma source(%dma_start3A_11 : memref<101000x128xf32, #tpu.memory_space<hbm>>) target(%dma_start3A_6 : memref<128x128xf32, #tpu.memory_space<vmem>>) offsets(%dma_start3A_8 : memref<128xi32, #tpu.memory_space<vmem>>) semaphore(%arg8 : memref<!tpu.dma_semaphore, #tpu.memory_space<semaphore_mem>>)
    %dma_start3A_12 = arith.constant 1 : i32
    %dma_start3A_13 = arith.constant 0 : i32
    %dma_start3A_14 = arith.constant 0 : i32
    %dma_start3A_15 = tpu.memref_slice %arg6[%dma_start3A_12, %dma_start3A_13, %dma_start3A_14] : memref<4x128x128xf32, #tpu.memory_space<vmem>> -> memref<1x128x128xf32, #tpu.memory_space<vmem>>
    %dma_start3A_16 = tpu.memref_squeeze %dma_start3A_15 : memref<1x128x128xf32, #tpu.memory_space<vmem>> -> memref<128x128xf32, #tpu.memory_space<vmem>>
    %dma_start3A_17 = arith.constant 128 : i32
    %dma_start3A_18 = tpu.memref_slice %arg5[%dma_start3A_17] : memref<25600xi32, #tpu.memory_space<vmem>> -> memref<128xi32, #tpu.memory_space<vmem>>
    %dma_start3A_19 = arith.constant 0 : i32
    %dma_start3A_20 = arith.constant 0 : i32
    %dma_start3A_21 = tpu.memref_slice %arg2[%dma_start3A_19, %dma_start3A_20] : memref<101000x128xf32, #tpu.memory_space<hbm>> -> memref<101000x128xf32, #tpu.memory_space<hbm>>
    tpu.enqueue_indirect_dma source(%dma_start3A_21 : memref<101000x128xf32, #tpu.memory_space<hbm>>) target(%dma_start3A_16 : memref<128x128xf32, #tpu.memory_space<vmem>>) offsets(%dma_start3A_18 : memref<128xi32, #tpu.memory_space<vmem>>) semaphore(%arg9 : memref<!tpu.dma_semaphore, #tpu.memory_space<semaphore_mem>>)
    %dma_start3A_22 = arith.constant 2 : i32
    %dma_start3A_23 = arith.constant 0 : i32
    %dma_start3A_24 = arith.constant 0 : i32
    %dma_start3A_25 = tpu.memref_slice %arg6[%dma_start3A_22, %dma_start3A_23, %dma_start3A_24] : memref<4x128x128xf32, #tpu.memory_space<vmem>> -> memref<1x128x128xf32, #tpu.memory_space<vmem>>
    %dma_start3A_26 = tpu.memref_squeeze %dma_start3A_25 : memref<1x128x128xf32, #tpu.memory_space<vmem>> -> memref<128x128xf32, #tpu.memory_space<vmem>>
    %dma_start3A_27 = arith.constant 256 : i32
    %dma_start3A_28 = tpu.memref_slice %arg5[%dma_start3A_27] : memref<25600xi32, #tpu.memory_space<vmem>> -> memref<128xi32, #tpu.memory_space<vmem>>
    %dma_start3A_29 = arith.constant 0 : i32
    %dma_start3A_30 = arith.constant 0 : i32
    %dma_start3A_31 = tpu.memref_slice %arg2[%dma_start3A_29, %dma_start3A_30] : memref<101000x128xf32, #tpu.memory_space<hbm>> -> memref<101000x128xf32, #tpu.memory_space<hbm>>
    tpu.enqueue_indirect_dma source(%dma_start3A_31 : memref<101000x128xf32, #tpu.memory_space<hbm>>) target(%dma_start3A_26 : memref<128x128xf32, #tpu.memory_space<vmem>>) offsets(%dma_start3A_28 : memref<128xi32, #tpu.memory_space<vmem>>) semaphore(%arg10 : memref<!tpu.dma_semaphore, #tpu.memory_space<semaphore_mem>>)
    %dma_start3A_32 = arith.constant 3 : i32
    %dma_start3A_33 = arith.constant 0 : i32
    %dma_start3A_34 = arith.constant 0 : i32
    %dma_start3A_35 = tpu.memref_slice %arg6[%dma_start3A_32, %dma_start3A_33, %dma_start3A_34] : memref<4x128x128xf32, #tpu.memory_space<vmem>> -> memref<1x128x128xf32, #tpu.memory_space<vmem>>
    %dma_start3A_36 = tpu.memref_squeeze %dma_start3A_35 : memref<1x128x128xf32, #tpu.memory_space<vmem>> -> memref<128x128xf32, #tpu.memory_space<vmem>>
    %dma_start3A_37 = arith.constant 384 : i32
    %dma_start3A_38 = tpu.memref_slice %arg5[%dma_start3A_37] : memref<25600xi32, #tpu.memory_space<vmem>> -> memref<128xi32, #tpu.memory_space<vmem>>
    %dma_start3A_39 = arith.constant 0 : i32
    %dma_start3A_40 = arith.constant 0 : i32
    %dma_start3A_41 = tpu.memref_slice %arg2[%dma_start3A_39, %dma_start3A_40] : memref<101000x128xf32, #tpu.memory_space<hbm>> -> memref<101000x128xf32, #tpu.memory_space<hbm>>
    tpu.enqueue_indirect_dma source(%dma_start3A_41 : memref<101000x128xf32, #tpu.memory_space<hbm>>) target(%dma_start3A_36 : memref<128x128xf32, #tpu.memory_space<vmem>>) offsets(%dma_start3A_38 : memref<128xi32, #tpu.memory_space<vmem>>) semaphore(%arg11 : memref<!tpu.dma_semaphore, #tpu.memory_space<semaphore_mem>>)
    %scan3A = arith.constant 0 : i32
    %scan3A_42 = arith.constant 0 : i32
    %scan3A_43 = arith.constant 25 : i32
    %scan3A_44 = arith.addi %scan3A_42, %scan3A_43 : i32
    %scan3A_45 = arith.constant 1 : i32
    scf.for %scan3A_62 = %scan3A_42 to %scan3A_44 step %scan3A_45  : i32 {
      %mul3A_63 = arith.constant 8 : i32
      %mul3A_64 = arith.muli %mul3A_63, %scan3A_62 : i32
      %add3A_65 = arith.constant 0 : i32
      %add3A_66 = arith.addi %mul3A_64, %add3A_65 : i32
      %dma_wait3A_67 = arith.constant 0 : i32
      %dma_wait3A_68 = arith.constant 0 : i32
      %dma_wait3A_69 = arith.constant 0 : i32
      %dma_wait3A_70 = tpu.memref_slice %arg6[%dma_wait3A_67, %dma_wait3A_68, %dma_wait3A_69] : memref<4x128x128xf32, #tpu.memory_space<vmem>> -> memref<1x128x128xf32, #tpu.memory_space<vmem>>
      %dma_wait3A_71 = tpu.memref_squeeze %dma_wait3A_70 : memref<1x128x128xf32, #tpu.memory_space<vmem>> -> memref<128x128xf32, #tpu.memory_space<vmem>>
      %dma_wait3A_72 = arith.constant 0 : i32
      %dma_wait3A_73 = arith.constant 0 : i32
      %dma_wait3A_74 = tpu.memref_slice %arg2[%dma_wait3A_72, %dma_wait3A_73] : memref<101000x128xf32, #tpu.memory_space<hbm>> -> memref<128x128xf32, #tpu.memory_space<hbm>>
      %dma_wait3A_75 = arith.constant 0 : i32
      %dma_wait3A_76 = arith.constant 0 : i32
      %dma_wait3A_77 = tpu.memref_slice %arg6[%dma_wait3A_67, %dma_wait3A_75, %dma_wait3A_76] : memref<4x128x128xf32, #tpu.memory_space<vmem>> -> memref<1x128x128xf32, #tpu.memory_space<vmem>>
      %dma_wait3A_78 = tpu.memref_squeeze %dma_wait3A_77 : memref<1x128x128xf32, #tpu.memory_space<vmem>> -> memref<128x128xf32, #tpu.memory_space<vmem>>
      %dma_wait3A_79 = arith.constant 0 : i32
      %dma_wait3A_80 = arith.constant 0 : i32
      %dma_wait3A_81 = tpu.memref_slice %arg2[%dma_wait3A_79, %dma_wait3A_80] : memref<101000x128xf32, #tpu.memory_space<hbm>> -> memref<128x128xf32, #tpu.memory_space<hbm>>
      tpu.wait_dma2 semaphore(%arg8 : memref<!tpu.dma_semaphore, #tpu.memory_space<semaphore_mem>>) src(%dma_wait3A_81 : memref<128x128xf32, #tpu.memory_space<hbm>>) dst(%dma_wait3A_78 : memref<128x128xf32, #tpu.memory_space<vmem>>)
      %mul3A_82 = arith.constant 128 : i32
      %mul3A_83 = arith.muli %add3A_66, %mul3A_82 : i32
      %add3A_84 = arith.addi %mul3A_2, %mul3A_83 : i32
      %dma_start3A_85 = arith.constant 0 : i32
      %dma_start3A_86 = arith.constant 0 : i32
      %dma_start3A_87 = arith.constant 0 : i32
      %dma_start3A_88 = tpu.memref_slice %arg6[%dma_start3A_85, %dma_start3A_86, %dma_start3A_87] : memref<4x128x128xf32, #tpu.memory_space<vmem>> -> memref<1x128x128xf32, #tpu.memory_space<vmem>>
      %dma_start3A_89 = tpu.memref_squeeze %dma_start3A_88 : memref<1x128x128xf32, #tpu.memory_space<vmem>> -> memref<128x128xf32, #tpu.memory_space<vmem>>
      %dma_start3A_90 = arith.constant 0 : i32
      %dma_start3A_91 = tpu.memref_slice %arg4[%add3A_84, %dma_start3A_90] : memref<819200x128xf32, #tpu.memory_space<hbm>> -> memref<128x128xf32, #tpu.memory_space<hbm>>
      %dma_start3A_92 = arith.constant 0 : i32
      %dma_start3A_93 = tpu.memref_slice %arg4[%add3A_84, %dma_start3A_92] : memref<819200x128xf32, #tpu.memory_space<hbm>> -> memref<128x128xf32, #tpu.memory_space<hbm>>
      %dma_start3A_94 = arith.constant 0 : i32
      %dma_start3A_95 = arith.constant 0 : i32
      %dma_start3A_96 = tpu.memref_slice %arg6[%dma_start3A_85, %dma_start3A_94, %dma_start3A_95] : memref<4x128x128xf32, #tpu.memory_space<vmem>> -> memref<1x128x128xf32, #tpu.memory_space<vmem>>
      %dma_start3A_97 = tpu.memref_squeeze %dma_start3A_96 : memref<1x128x128xf32, #tpu.memory_space<vmem>> -> memref<128x128xf32, #tpu.memory_space<vmem>>
      tpu.enqueue_dma source(%dma_start3A_97 : memref<128x128xf32, #tpu.memory_space<vmem>>) target(%dma_start3A_93 : memref<128x128xf32, #tpu.memory_space<hbm>>) target_semaphore(%arg13 : memref<!tpu.dma_semaphore, #tpu.memory_space<semaphore_mem>>)
      %dma_wait3A_98 = arith.constant 0 : i32
      %dma_wait3A_99 = arith.constant 0 : i32
      %dma_wait3A_100 = arith.constant 0 : i32
      %dma_wait3A_101 = tpu.memref_slice %arg6[%dma_wait3A_98, %dma_wait3A_99, %dma_wait3A_100] : memref<4x128x128xf32, #tpu.memory_space<vmem>> -> memref<1x128x128xf32, #tpu.memory_space<vmem>>
      %dma_wait3A_102 = tpu.memref_squeeze %dma_wait3A_101 : memref<1x128x128xf32, #tpu.memory_space<vmem>> -> memref<128x128xf32, #tpu.memory_space<vmem>>
      %dma_wait3A_103 = arith.constant 0 : i32
      %dma_wait3A_104 = arith.constant 0 : i32
      %dma_wait3A_105 = tpu.memref_slice %arg4[%dma_wait3A_103, %dma_wait3A_104] : memref<819200x128xf32, #tpu.memory_space<hbm>> -> memref<128x128xf32, #tpu.memory_space<hbm>>
      %dma_wait3A_106 = arith.constant 0 : i32
      %dma_wait3A_107 = arith.constant 0 : i32
      %dma_wait3A_108 = tpu.memref_slice %arg4[%dma_wait3A_106, %dma_wait3A_107] : memref<819200x128xf32, #tpu.memory_space<hbm>> -> memref<128x128xf32, #tpu.memory_space<hbm>>
      %dma_wait3A_109 = arith.constant 0 : i32
      %dma_wait3A_110 = arith.constant 0 : i32
      %dma_wait3A_111 = tpu.memref_slice %arg6[%dma_wait3A_98, %dma_wait3A_109, %dma_wait3A_110] : memref<4x128x128xf32, #tpu.memory_space<vmem>> -> memref<1x128x128xf32, #tpu.memory_space<vmem>>
      %dma_wait3A_112 = tpu.memref_squeeze %dma_wait3A_111 : memref<1x128x128xf32, #tpu.memory_space<vmem>> -> memref<128x128xf32, #tpu.memory_space<vmem>>
      tpu.wait_dma2 semaphore(%arg13 : memref<!tpu.dma_semaphore, #tpu.memory_space<semaphore_mem>>) src(%dma_wait3A_112 : memref<128x128xf32, #tpu.memory_space<vmem>>) dst(%dma_wait3A_108 : memref<128x128xf32, #tpu.memory_space<hbm>>)
      %add3A_113 = arith.constant 4 : i32
      %add3A_114 = arith.addi %add3A_66, %add3A_113 : i32
      %lt3A = arith.constant 200 : i32
      %lt3A_115 = arith.cmpi slt, %add3A_114, %lt3A : i32
      %convert_element_type3A = arith.extui %lt3A_115 : i1 to i32
      %cond3A = arith.constant 0 : i32
      %cond3A_116 = arith.cmpi ne, %convert_element_type3A, %cond3A : i32
      scf.if %cond3A_116 {
        %add3A_647 = arith.constant 4 : i32
        %add3A_648 = arith.addi %add3A_66, %add3A_647 : i32
        %mul3A_649 = arith.constant 128 : i32
        %mul3A_650 = arith.muli %add3A_648, %mul3A_649 : i32
        %dma_start3A_651 = arith.constant 0 : i32
        %dma_start3A_652 = arith.constant 0 : i32
        %dma_start3A_653 = arith.constant 0 : i32
        %dma_start3A_654 = tpu.memref_slice %arg6[%dma_start3A_651, %dma_start3A_652, %dma_start3A_653] : memref<4x128x128xf32, #tpu.memory_space<vmem>> -> memref<1x128x128xf32, #tpu.memory_space<vmem>>
        %dma_start3A_655 = tpu.memref_squeeze %dma_start3A_654 : memref<1x128x128xf32, #tpu.memory_space<vmem>> -> memref<128x128xf32, #tpu.memory_space<vmem>>
        %dma_start3A_656 = tpu.memref_slice %arg5[%mul3A_650] : memref<25600xi32, #tpu.memory_space<vmem>> -> memref<128xi32, #tpu.memory_space<vmem>>
        %dma_start3A_657 = arith.constant 0 : i32
        %dma_start3A_658 = arith.constant 0 : i32
        %dma_start3A_659 = tpu.memref_slice %arg2[%dma_start3A_657, %dma_start3A_658] : memref<101000x128xf32, #tpu.memory_space<hbm>> -> memref<101000x128xf32, #tpu.memory_space<hbm>>
        tpu.enqueue_indirect_dma source(%dma_start3A_659 : memref<101000x128xf32, #tpu.memory_space<hbm>>) target(%dma_start3A_655 : memref<128x128xf32, #tpu.memory_space<vmem>>) offsets(%dma_start3A_656 : memref<128xi32, #tpu.memory_space<vmem>>) semaphore(%arg8 : memref<!tpu.dma_semaphore, #tpu.memory_space<semaphore_mem>>)
      } else {
      }
      %mul3A_117 = arith.constant 8 : i32
      %mul3A_118 = arith.muli %mul3A_117, %scan3A_62 : i32
      %add3A_119 = arith.constant 1 : i32
      %add3A_120 = arith.addi %mul3A_118, %add3A_119 : i32
      %dma_wait3A_121 = arith.constant 1 : i32
      %dma_wait3A_122 = arith.constant 0 : i32
      %dma_wait3A_123 = arith.constant 0 : i32
      %dma_wait3A_124 = tpu.memref_slice %arg6[%dma_wait3A_121, %dma_wait3A_122, %dma_wait3A_123] : memref<4x128x128xf32, #tpu.memory_space<vmem>> -> memref<1x128x128xf32, #tpu.memory_space<vmem>>
      %dma_wait3A_125 = tpu.memref_squeeze %dma_wait3A_124 : memref<1x128x128xf32, #tpu.memory_space<vmem>> -> memref<128x128xf32, #tpu.memory_space<vmem>>
      %dma_wait3A_126 = arith.constant 0 : i32
      %dma_wait3A_127 = arith.constant 0 : i32
      %dma_wait3A_128 = tpu.memref_slice %arg2[%dma_wait3A_126, %dma_wait3A_127] : memref<101000x128xf32, #tpu.memory_space<hbm>> -> memref<128x128xf32, #tpu.memory_space<hbm>>
      %dma_wait3A_129 = arith.constant 0 : i32
      %dma_wait3A_130 = arith.constant 0 : i32
      %dma_wait3A_131 = tpu.memref_slice %arg6[%dma_wait3A_121, %dma_wait3A_129, %dma_wait3A_130] : memref<4x128x128xf32, #tpu.memory_space<vmem>> -> memref<1x128x128xf32, #tpu.memory_space<vmem>>
      %dma_wait3A_132 = tpu.memref_squeeze %dma_wait3A_131 : memref<1x128x128xf32, #tpu.memory_space<vmem>> -> memref<128x128xf32, #tpu.memory_space<vmem>>
      %dma_wait3A_133 = arith.constant 0 : i32
      %dma_wait3A_134 = arith.constant 0 : i32
      %dma_wait3A_135 = tpu.memref_slice %arg2[%dma_wait3A_133, %dma_wait3A_134] : memref<101000x128xf32, #tpu.memory_space<hbm>> -> memref<128x128xf32, #tpu.memory_space<hbm>>
      tpu.wait_dma2 semaphore(%arg9 : memref<!tpu.dma_semaphore, #tpu.memory_space<semaphore_mem>>) src(%dma_wait3A_135 : memref<128x128xf32, #tpu.memory_space<hbm>>) dst(%dma_wait3A_132 : memref<128x128xf32, #tpu.memory_space<vmem>>)
      %gt3A = arith.constant 0 : i32
      %gt3A_136 = arith.cmpi sgt, %scan3A_62, %gt3A : i32
      %convert_element_type3A_137 = arith.extui %gt3A_136 : i1 to i32
      %cond3A_138 = arith.constant 0 : i32
      %cond3A_139 = arith.cmpi ne, %convert_element_type3A_137, %cond3A_138 : i32
      scf.if %cond3A_139 {
        %dma_wait3A_647 = arith.constant 0 : i32
        %dma_wait3A_648 = arith.constant 0 : i32
        %dma_wait3A_649 = arith.constant 0 : i32
        %dma_wait3A_650 = tpu.memref_slice %arg4[%dma_wait3A_648, %dma_wait3A_649] : memref<819200x128xf32, #tpu.memory_space<hbm>> -> memref<128x128xf32, #tpu.memory_space<hbm>>
        %dma_wait3A_651 = arith.constant 0 : i32
        %dma_wait3A_652 = arith.constant 0 : i32
        %dma_wait3A_653 = tpu.memref_slice %arg7[%arg1, %dma_wait3A_647, %dma_wait3A_651, %dma_wait3A_652] : memref<16x2x128x128xf32, #tpu.memory_space<vmem_shared>> -> memref<1x1x128x128xf32, #tpu.memory_space<vmem_shared>>
        %dma_wait3A_654 = tpu.memref_squeeze %dma_wait3A_653 : memref<1x1x128x128xf32, #tpu.memory_space<vmem_shared>> -> memref<128x128xf32, #tpu.memory_space<vmem_shared>>
        tpu.wait_dma2 semaphore(%arg14 : memref<!tpu.dma_semaphore, #tpu.memory_space<semaphore_mem>>) src(%dma_wait3A_654 : memref<128x128xf32, #tpu.memory_space<vmem_shared>>) dst(%dma_wait3A_650 : memref<128x128xf32, #tpu.memory_space<hbm>>)
      } else {
      }
      %dma_start3A_140 = arith.constant 1 : i32
      %dma_start3A_141 = arith.constant 0 : i32
      %dma_start3A_142 = arith.constant 0 : i32
      %dma_start3A_143 = arith.constant 0 : i32
      %dma_start3A_144 = tpu.memref_slice %arg6[%dma_start3A_140, %dma_start3A_142, %dma_start3A_143] : memref<4x128x128xf32, #tpu.memory_space<vmem>> -> memref<1x128x128xf32, #tpu.memory_space<vmem>>
      %dma_start3A_145 = tpu.memref_squeeze %dma_start3A_144 : memref<1x128x128xf32, #tpu.memory_space<vmem>> -> memref<128x128xf32, #tpu.memory_space<vmem>>
      %dma_start3A_146 = arith.constant 0 : i32
      %dma_start3A_147 = arith.constant 0 : i32
      %dma_start3A_148 = tpu.memref_slice %arg7[%arg1, %dma_start3A_141, %dma_start3A_146, %dma_start3A_147] : memref<16x2x128x128xf32, #tpu.memory_space<vmem_shared>> -> memref<1x1x128x128xf32, #tpu.memory_space<vmem_shared>>
      %dma_start3A_149 = tpu.memref_squeeze %dma_start3A_148 : memref<1x1x128x128xf32, #tpu.memory_space<vmem_shared>> -> memref<128x128xf32, #tpu.memory_space<vmem_shared>>
      %dma_start3A_150 = arith.constant 0 : i32
      %dma_start3A_151 = arith.constant 0 : i32
      %dma_start3A_152 = tpu.memref_slice %arg7[%arg1, %dma_start3A_141, %dma_start3A_150, %dma_start3A_151] : memref<16x2x128x128xf32, #tpu.memory_space<vmem_shared>> -> memref<1x1x128x128xf32, #tpu.memory_space<vmem_shared>>
      %dma_start3A_153 = tpu.memref_squeeze %dma_start3A_152 : memref<1x1x128x128xf32, #tpu.memory_space<vmem_shared>> -> memref<128x128xf32, #tpu.memory_space<vmem_shared>>
      %dma_start3A_154 = arith.constant 0 : i32
      %dma_start3A_155 = arith.constant 0 : i32
      %dma_start3A_156 = tpu.memref_slice %arg6[%dma_start3A_140, %dma_start3A_154, %dma_start3A_155] : memref<4x128x128xf32, #tpu.memory_space<vmem>> -> memref<1x128x128xf32, #tpu.memory_space<vmem>>
      %dma_start3A_157 = tpu.memref_squeeze %dma_start3A_156 : memref<1x128x128xf32, #tpu.memory_space<vmem>> -> memref<128x128xf32, #tpu.memory_space<vmem>>
      tpu.enqueue_dma source(%dma_start3A_157 : memref<128x128xf32, #tpu.memory_space<vmem>>) target(%dma_start3A_153 : memref<128x128xf32, #tpu.memory_space<vmem_shared>>) target_semaphore(%arg12 : memref<!tpu.dma_semaphore, #tpu.memory_space<semaphore_mem>>)
      %dma_wait3A_158 = arith.constant 1 : i32
      %dma_wait3A_159 = arith.constant 0 : i32
      %dma_wait3A_160 = arith.constant 0 : i32
      %dma_wait3A_161 = arith.constant 0 : i32
      %dma_wait3A_162 = tpu.memref_slice %arg6[%dma_wait3A_158, %dma_wait3A_160, %dma_wait3A_161] : memref<4x128x128xf32, #tpu.memory_space<vmem>> -> memref<1x128x128xf32, #tpu.memory_space<vmem>>
      %dma_wait3A_163 = tpu.memref_squeeze %dma_wait3A_162 : memref<1x128x128xf32, #tpu.memory_space<vmem>> -> memref<128x128xf32, #tpu.memory_space<vmem>>
      %dma_wait3A_164 = arith.constant 0 : i32
      %dma_wait3A_165 = arith.constant 0 : i32
      %dma_wait3A_166 = tpu.memref_slice %arg7[%arg1, %dma_wait3A_159, %dma_wait3A_164, %dma_wait3A_165] : memref<16x2x128x128xf32, #tpu.memory_space<vmem_shared>> -> memref<1x1x128x128xf32, #tpu.memory_space<vmem_shared>>
      %dma_wait3A_167 = tpu.memref_squeeze %dma_wait3A_166 : memref<1x1x128x128xf32, #tpu.memory_space<vmem_shared>> -> memref<128x128xf32, #tpu.memory_space<vmem_shared>>
      %dma_wait3A_168 = arith.constant 0 : i32
      %dma_wait3A_169 = arith.constant 0 : i32
      %dma_wait3A_170 = tpu.memref_slice %arg7[%arg1, %dma_wait3A_159, %dma_wait3A_168, %dma_wait3A_169] : memref<16x2x128x128xf32, #tpu.memory_space<vmem_shared>> -> memref<1x1x128x128xf32, #tpu.memory_space<vmem_shared>>
      %dma_wait3A_171 = tpu.memref_squeeze %dma_wait3A_170 : memref<1x1x128x128xf32, #tpu.memory_space<vmem_shared>> -> memref<128x128xf32, #tpu.memory_space<vmem_shared>>
      %dma_wait3A_172 = arith.constant 0 : i32
      %dma_wait3A_173 = arith.constant 0 : i32
      %dma_wait3A_174 = tpu.memref_slice %arg6[%dma_wait3A_158, %dma_wait3A_172, %dma_wait3A_173] : memref<4x128x128xf32, #tpu.memory_space<vmem>> -> memref<1x128x128xf32, #tpu.memory_space<vmem>>
      %dma_wait3A_175 = tpu.memref_squeeze %dma_wait3A_174 : memref<1x128x128xf32, #tpu.memory_space<vmem>> -> memref<128x128xf32, #tpu.memory_space<vmem>>
      tpu.wait_dma2 semaphore(%arg12 : memref<!tpu.dma_semaphore, #tpu.memory_space<semaphore_mem>>) src(%dma_wait3A_175 : memref<128x128xf32, #tpu.memory_space<vmem>>) dst(%dma_wait3A_171 : memref<128x128xf32, #tpu.memory_space<vmem_shared>>)
      %mul3A_176 = arith.constant 128 : i32
      %mul3A_177 = arith.muli %add3A_120, %mul3A_176 : i32
      %add3A_178 = arith.addi %mul3A_2, %mul3A_177 : i32
      %dma_start3A_179 = arith.constant 0 : i32
      %dma_start3A_180 = arith.constant 0 : i32
      %dma_start3A_181 = tpu.memref_slice %arg4[%add3A_178, %dma_start3A_180] : memref<819200x128xf32, #tpu.memory_space<hbm>> -> memref<128x128xf32, #tpu.memory_space<hbm>>
      %dma_start3A_182 = arith.constant 0 : i32
      %dma_start3A_183 = arith.constant 0 : i32
      %dma_start3A_184 = tpu.memref_slice %arg7[%arg1, %dma_start3A_179, %dma_start3A_182, %dma_start3A_183] : memref<16x2x128x128xf32, #tpu.memory_space<vmem_shared>> -> memref<1x1x128x128xf32, #tpu.memory_space<vmem_shared>>
      %dma_start3A_185 = tpu.memref_squeeze %dma_start3A_184 : memref<1x1x128x128xf32, #tpu.memory_space<vmem_shared>> -> memref<128x128xf32, #tpu.memory_space<vmem_shared>>
      tpu.enqueue_dma source(%dma_start3A_185 : memref<128x128xf32, #tpu.memory_space<vmem_shared>>) target(%dma_start3A_181 : memref<128x128xf32, #tpu.memory_space<hbm>>) target_semaphore(%arg14 : memref<!tpu.dma_semaphore, #tpu.memory_space<semaphore_mem>>)
      %add3A_186 = arith.constant 4 : i32
      %add3A_187 = arith.addi %add3A_120, %add3A_186 : i32
      %lt3A_188 = arith.constant 200 : i32
      %lt3A_189 = arith.cmpi slt, %add3A_187, %lt3A_188 : i32
      %convert_element_type3A_190 = arith.extui %lt3A_189 : i1 to i32
      %cond3A_191 = arith.constant 0 : i32
      %cond3A_192 = arith.cmpi ne, %convert_element_type3A_190, %cond3A_191 : i32
      scf.if %cond3A_192 {
        %add3A_647 = arith.constant 4 : i32
        %add3A_648 = arith.addi %add3A_120, %add3A_647 : i32
        %mul3A_649 = arith.constant 128 : i32
        %mul3A_650 = arith.muli %add3A_648, %mul3A_649 : i32
        %dma_start3A_651 = arith.constant 1 : i32
        %dma_start3A_652 = arith.constant 0 : i32
        %dma_start3A_653 = arith.constant 0 : i32
        %dma_start3A_654 = tpu.memref_slice %arg6[%dma_start3A_651, %dma_start3A_652, %dma_start3A_653] : memref<4x128x128xf32, #tpu.memory_space<vmem>> -> memref<1x128x128xf32, #tpu.memory_space<vmem>>
        %dma_start3A_655 = tpu.memref_squeeze %dma_start3A_654 : memref<1x128x128xf32, #tpu.memory_space<vmem>> -> memref<128x128xf32, #tpu.memory_space<vmem>>
        %dma_start3A_656 = tpu.memref_slice %arg5[%mul3A_650] : memref<25600xi32, #tpu.memory_space<vmem>> -> memref<128xi32, #tpu.memory_space<vmem>>
        %dma_start3A_657 = arith.constant 0 : i32
        %dma_start3A_658 = arith.constant 0 : i32
        %dma_start3A_659 = tpu.memref_slice %arg2[%dma_start3A_657, %dma_start3A_658] : memref<101000x128xf32, #tpu.memory_space<hbm>> -> memref<101000x128xf32, #tpu.memory_space<hbm>>
        tpu.enqueue_indirect_dma source(%dma_start3A_659 : memref<101000x128xf32, #tpu.memory_space<hbm>>) target(%dma_start3A_655 : memref<128x128xf32, #tpu.memory_space<vmem>>) offsets(%dma_start3A_656 : memref<128xi32, #tpu.memory_space<vmem>>) semaphore(%arg9 : memref<!tpu.dma_semaphore, #tpu.memory_space<semaphore_mem>>)
      } else {
      }
      %mul3A_193 = arith.constant 8 : i32
      %mul3A_194 = arith.muli %mul3A_193, %scan3A_62 : i32
      %add3A_195 = arith.constant 2 : i32
      %add3A_196 = arith.addi %mul3A_194, %add3A_195 : i32
      %dma_wait3A_197 = arith.constant 2 : i32
      %dma_wait3A_198 = arith.constant 0 : i32
      %dma_wait3A_199 = arith.constant 0 : i32
      %dma_wait3A_200 = tpu.memref_slice %arg6[%dma_wait3A_197, %dma_wait3A_198, %dma_wait3A_199] : memref<4x128x128xf32, #tpu.memory_space<vmem>> -> memref<1x128x128xf32, #tpu.memory_space<vmem>>
      %dma_wait3A_201 = tpu.memref_squeeze %dma_wait3A_200 : memref<1x128x128xf32, #tpu.memory_space<vmem>> -> memref<128x128xf32, #tpu.memory_space<vmem>>
      %dma_wait3A_202 = arith.constant 0 : i32
      %dma_wait3A_203 = arith.constant 0 : i32
      %dma_wait3A_204 = tpu.memref_slice %arg2[%dma_wait3A_202, %dma_wait3A_203] : memref<101000x128xf32, #tpu.memory_space<hbm>> -> memref<128x128xf32, #tpu.memory_space<hbm>>
      %dma_wait3A_205 = arith.constant 0 : i32
      %dma_wait3A_206 = arith.constant 0 : i32
      %dma_wait3A_207 = tpu.memref_slice %arg6[%dma_wait3A_197, %dma_wait3A_205, %dma_wait3A_206] : memref<4x128x128xf32, #tpu.memory_space<vmem>> -> memref<1x128x128xf32, #tpu.memory_space<vmem>>
      %dma_wait3A_208 = tpu.memref_squeeze %dma_wait3A_207 : memref<1x128x128xf32, #tpu.memory_space<vmem>> -> memref<128x128xf32, #tpu.memory_space<vmem>>
      %dma_wait3A_209 = arith.constant 0 : i32
      %dma_wait3A_210 = arith.constant 0 : i32
      %dma_wait3A_211 = tpu.memref_slice %arg2[%dma_wait3A_209, %dma_wait3A_210] : memref<101000x128xf32, #tpu.memory_space<hbm>> -> memref<128x128xf32, #tpu.memory_space<hbm>>
      tpu.wait_dma2 semaphore(%arg10 : memref<!tpu.dma_semaphore, #tpu.memory_space<semaphore_mem>>) src(%dma_wait3A_211 : memref<128x128xf32, #tpu.memory_space<hbm>>) dst(%dma_wait3A_208 : memref<128x128xf32, #tpu.memory_space<vmem>>)
      %gt3A_212 = arith.constant 0 : i32
      %gt3A_213 = arith.cmpi sgt, %scan3A_62, %gt3A_212 : i32
      %convert_element_type3A_214 = arith.extui %gt3A_213 : i1 to i32
      %cond3A_215 = arith.constant 0 : i32
      %cond3A_216 = arith.cmpi ne, %convert_element_type3A_214, %cond3A_215 : i32
      scf.if %cond3A_216 {
        %dma_wait3A_647 = arith.constant 1 : i32
        %dma_wait3A_648 = arith.constant 0 : i32
        %dma_wait3A_649 = arith.constant 0 : i32
        %dma_wait3A_650 = tpu.memref_slice %arg4[%dma_wait3A_648, %dma_wait3A_649] : memref<819200x128xf32, #tpu.memory_space<hbm>> -> memref<128x128xf32, #tpu.memory_space<hbm>>
        %dma_wait3A_651 = arith.constant 0 : i32
        %dma_wait3A_652 = arith.constant 0 : i32
        %dma_wait3A_653 = tpu.memref_slice %arg7[%arg1, %dma_wait3A_647, %dma_wait3A_651, %dma_wait3A_652] : memref<16x2x128x128xf32, #tpu.memory_space<vmem_shared>> -> memref<1x1x128x128xf32, #tpu.memory_space<vmem_shared>>
        %dma_wait3A_654 = tpu.memref_squeeze %dma_wait3A_653 : memref<1x1x128x128xf32, #tpu.memory_space<vmem_shared>> -> memref<128x128xf32, #tpu.memory_space<vmem_shared>>
        tpu.wait_dma2 semaphore(%arg15 : memref<!tpu.dma_semaphore, #tpu.memory_space<semaphore_mem>>) src(%dma_wait3A_654 : memref<128x128xf32, #tpu.memory_space<vmem_shared>>) dst(%dma_wait3A_650 : memref<128x128xf32, #tpu.memory_space<hbm>>)
      } else {
      }
      %dma_start3A_217 = arith.constant 2 : i32
      %dma_start3A_218 = arith.constant 1 : i32
      %dma_start3A_219 = arith.constant 0 : i32
      %dma_start3A_220 = arith.constant 0 : i32
      %dma_start3A_221 = tpu.memref_slice %arg6[%dma_start3A_217, %dma_start3A_219, %dma_start3A_220] : memref<4x128x128xf32, #tpu.memory_space<vmem>> -> memref<1x128x128xf32, #tpu.memory_space<vmem>>
      %dma_start3A_222 = tpu.memref_squeeze %dma_start3A_221 : memref<1x128x128xf32, #tpu.memory_space<vmem>> -> memref<128x128xf32, #tpu.memory_space<vmem>>
      %dma_start3A_223 = arith.constant 0 : i32
      %dma_start3A_224 = arith.constant 0 : i32
      %dma_start3A_225 = tpu.memref_slice %arg7[%arg1, %dma_start3A_218, %dma_start3A_223, %dma_start3A_224] : memref<16x2x128x128xf32, #tpu.memory_space<vmem_shared>> -> memref<1x1x128x128xf32, #tpu.memory_space<vmem_shared>>
      %dma_start3A_226 = tpu.memref_squeeze %dma_start3A_225 : memref<1x1x128x128xf32, #tpu.memory_space<vmem_shared>> -> memref<128x128xf32, #tpu.memory_space<vmem_shared>>
      %dma_start3A_227 = arith.constant 0 : i32
      %dma_start3A_228 = arith.constant 0 : i32
      %dma_start3A_229 = tpu.memref_slice %arg7[%arg1, %dma_start3A_218, %dma_start3A_227, %dma_start3A_228] : memref<16x2x128x128xf32, #tpu.memory_space<vmem_shared>> -> memref<1x1x128x128xf32, #tpu.memory_space<vmem_shared>>
      %dma_start3A_230 = tpu.memref_squeeze %dma_start3A_229 : memref<1x1x128x128xf32, #tpu.memory_space<vmem_shared>> -> memref<128x128xf32, #tpu.memory_space<vmem_shared>>
      %dma_start3A_231 = arith.constant 0 : i32
      %dma_start3A_232 = arith.constant 0 : i32
      %dma_start3A_233 = tpu.memref_slice %arg6[%dma_start3A_217, %dma_start3A_231, %dma_start3A_232] : memref<4x128x128xf32, #tpu.memory_space<vmem>> -> memref<1x128x128xf32, #tpu.memory_space<vmem>>
      %dma_start3A_234 = tpu.memref_squeeze %dma_start3A_233 : memref<1x128x128xf32, #tpu.memory_space<vmem>> -> memref<128x128xf32, #tpu.memory_space<vmem>>
      tpu.enqueue_dma source(%dma_start3A_234 : memref<128x128xf32, #tpu.memory_space<vmem>>) target(%dma_start3A_230 : memref<128x128xf32, #tpu.memory_space<vmem_shared>>) target_semaphore(%arg12 : memref<!tpu.dma_semaphore, #tpu.memory_space<semaphore_mem>>)
      %dma_wait3A_235 = arith.constant 2 : i32
      %dma_wait3A_236 = arith.constant 1 : i32
      %dma_wait3A_237 = arith.constant 0 : i32
      %dma_wait3A_238 = arith.constant 0 : i32
      %dma_wait3A_239 = tpu.memref_slice %arg6[%dma_wait3A_235, %dma_wait3A_237, %dma_wait3A_238] : memref<4x128x128xf32, #tpu.memory_space<vmem>> -> memref<1x128x128xf32, #tpu.memory_space<vmem>>
      %dma_wait3A_240 = tpu.memref_squeeze %dma_wait3A_239 : memref<1x128x128xf32, #tpu.memory_space<vmem>> -> memref<128x128xf32, #tpu.memory_space<vmem>>
      %dma_wait3A_241 = arith.constant 0 : i32
      %dma_wait3A_242 = arith.constant 0 : i32
      %dma_wait3A_243 = tpu.memref_slice %arg7[%arg1, %dma_wait3A_236, %dma_wait3A_241, %dma_wait3A_242] : memref<16x2x128x128xf32, #tpu.memory_space<vmem_shared>> -> memref<1x1x128x128xf32, #tpu.memory_space<vmem_shared>>
      %dma_wait3A_244 = tpu.memref_squeeze %dma_wait3A_243 : memref<1x1x128x128xf32, #tpu.memory_space<vmem_shared>> -> memref<128x128xf32, #tpu.memory_space<vmem_shared>>
      %dma_wait3A_245 = arith.constant 0 : i32
      %dma_wait3A_246 = arith.constant 0 : i32
      %dma_wait3A_247 = tpu.memref_slice %arg7[%arg1, %dma_wait3A_236, %dma_wait3A_245, %dma_wait3A_246] : memref<16x2x128x128xf32, #tpu.memory_space<vmem_shared>> -> memref<1x1x128x128xf32, #tpu.memory_space<vmem_shared>>
      %dma_wait3A_248 = tpu.memref_squeeze %dma_wait3A_247 : memref<1x1x128x128xf32, #tpu.memory_space<vmem_shared>> -> memref<128x128xf32, #tpu.memory_space<vmem_shared>>
      %dma_wait3A_249 = arith.constant 0 : i32
      %dma_wait3A_250 = arith.constant 0 : i32
      %dma_wait3A_251 = tpu.memref_slice %arg6[%dma_wait3A_235, %dma_wait3A_249, %dma_wait3A_250] : memref<4x128x128xf32, #tpu.memory_space<vmem>> -> memref<1x128x128xf32, #tpu.memory_space<vmem>>
      %dma_wait3A_252 = tpu.memref_squeeze %dma_wait3A_251 : memref<1x128x128xf32, #tpu.memory_space<vmem>> -> memref<128x128xf32, #tpu.memory_space<vmem>>
      tpu.wait_dma2 semaphore(%arg12 : memref<!tpu.dma_semaphore, #tpu.memory_space<semaphore_mem>>) src(%dma_wait3A_252 : memref<128x128xf32, #tpu.memory_space<vmem>>) dst(%dma_wait3A_248 : memref<128x128xf32, #tpu.memory_space<vmem_shared>>)
      %mul3A_253 = arith.constant 128 : i32
      %mul3A_254 = arith.muli %add3A_196, %mul3A_253 : i32
      %add3A_255 = arith.addi %mul3A_2, %mul3A_254 : i32
      %dma_start3A_256 = arith.constant 1 : i32
      %dma_start3A_257 = arith.constant 0 : i32
      %dma_start3A_258 = tpu.memref_slice %arg4[%add3A_255, %dma_start3A_257] : memref<819200x128xf32, #tpu.memory_space<hbm>> -> memref<128x128xf32, #tpu.memory_space<hbm>>
      %dma_start3A_259 = arith.constant 0 : i32
      %dma_start3A_260 = arith.constant 0 : i32
      %dma_start3A_261 = tpu.memref_slice %arg7[%arg1, %dma_start3A_256, %dma_start3A_259, %dma_start3A_260] : memref<16x2x128x128xf32, #tpu.memory_space<vmem_shared>> -> memref<1x1x128x128xf32, #tpu.memory_space<vmem_shared>>
      %dma_start3A_262 = tpu.memref_squeeze %dma_start3A_261 : memref<1x1x128x128xf32, #tpu.memory_space<vmem_shared>> -> memref<128x128xf32, #tpu.memory_space<vmem_shared>>
      tpu.enqueue_dma source(%dma_start3A_262 : memref<128x128xf32, #tpu.memory_space<vmem_shared>>) target(%dma_start3A_258 : memref<128x128xf32, #tpu.memory_space<hbm>>) target_semaphore(%arg15 : memref<!tpu.dma_semaphore, #tpu.memory_space<semaphore_mem>>)
      %add3A_263 = arith.constant 4 : i32
      %add3A_264 = arith.addi %add3A_196, %add3A_263 : i32
      %lt3A_265 = arith.constant 200 : i32
      %lt3A_266 = arith.cmpi slt, %add3A_264, %lt3A_265 : i32
      %convert_element_type3A_267 = arith.extui %lt3A_266 : i1 to i32
      %cond3A_268 = arith.constant 0 : i32
      %cond3A_269 = arith.cmpi ne, %convert_element_type3A_267, %cond3A_268 : i32
      scf.if %cond3A_269 {
        %add3A_647 = arith.constant 4 : i32
        %add3A_648 = arith.addi %add3A_196, %add3A_647 : i32
        %mul3A_649 = arith.constant 128 : i32
        %mul3A_650 = arith.muli %add3A_648, %mul3A_649 : i32
        %dma_start3A_651 = arith.constant 2 : i32
        %dma_start3A_652 = arith.constant 0 : i32
        %dma_start3A_653 = arith.constant 0 : i32
        %dma_start3A_654 = tpu.memref_slice %arg6[%dma_start3A_651, %dma_start3A_652, %dma_start3A_653] : memref<4x128x128xf32, #tpu.memory_space<vmem>> -> memref<1x128x128xf32, #tpu.memory_space<vmem>>
        %dma_start3A_655 = tpu.memref_squeeze %dma_start3A_654 : memref<1x128x128xf32, #tpu.memory_space<vmem>> -> memref<128x128xf32, #tpu.memory_space<vmem>>
        %dma_start3A_656 = tpu.memref_slice %arg5[%mul3A_650] : memref<25600xi32, #tpu.memory_space<vmem>> -> memref<128xi32, #tpu.memory_space<vmem>>
        %dma_start3A_657 = arith.constant 0 : i32
        %dma_start3A_658 = arith.constant 0 : i32
        %dma_start3A_659 = tpu.memref_slice %arg2[%dma_start3A_657, %dma_start3A_658] : memref<101000x128xf32, #tpu.memory_space<hbm>> -> memref<101000x128xf32, #tpu.memory_space<hbm>>
        tpu.enqueue_indirect_dma source(%dma_start3A_659 : memref<101000x128xf32, #tpu.memory_space<hbm>>) target(%dma_start3A_655 : memref<128x128xf32, #tpu.memory_space<vmem>>) offsets(%dma_start3A_656 : memref<128xi32, #tpu.memory_space<vmem>>) semaphore(%arg10 : memref<!tpu.dma_semaphore, #tpu.memory_space<semaphore_mem>>)
      } else {
      }
      %mul3A_270 = arith.constant 8 : i32
      %mul3A_271 = arith.muli %mul3A_270, %scan3A_62 : i32
      %add3A_272 = arith.constant 3 : i32
      %add3A_273 = arith.addi %mul3A_271, %add3A_272 : i32
      %dma_wait3A_274 = arith.constant 3 : i32
      %dma_wait3A_275 = arith.constant 0 : i32
      %dma_wait3A_276 = arith.constant 0 : i32
      %dma_wait3A_277 = tpu.memref_slice %arg6[%dma_wait3A_274, %dma_wait3A_275, %dma_wait3A_276] : memref<4x128x128xf32, #tpu.memory_space<vmem>> -> memref<1x128x128xf32, #tpu.memory_space<vmem>>
      %dma_wait3A_278 = tpu.memref_squeeze %dma_wait3A_277 : memref<1x128x128xf32, #tpu.memory_space<vmem>> -> memref<128x128xf32, #tpu.memory_space<vmem>>
      %dma_wait3A_279 = arith.constant 0 : i32
      %dma_wait3A_280 = arith.constant 0 : i32
      %dma_wait3A_281 = tpu.memref_slice %arg2[%dma_wait3A_279, %dma_wait3A_280] : memref<101000x128xf32, #tpu.memory_space<hbm>> -> memref<128x128xf32, #tpu.memory_space<hbm>>
      %dma_wait3A_282 = arith.constant 0 : i32
      %dma_wait3A_283 = arith.constant 0 : i32
      %dma_wait3A_284 = tpu.memref_slice %arg6[%dma_wait3A_274, %dma_wait3A_282, %dma_wait3A_283] : memref<4x128x128xf32, #tpu.memory_space<vmem>> -> memref<1x128x128xf32, #tpu.memory_space<vmem>>
      %dma_wait3A_285 = tpu.memref_squeeze %dma_wait3A_284 : memref<1x128x128xf32, #tpu.memory_space<vmem>> -> memref<128x128xf32, #tpu.memory_space<vmem>>
      %dma_wait3A_286 = arith.constant 0 : i32
      %dma_wait3A_287 = arith.constant 0 : i32
      %dma_wait3A_288 = tpu.memref_slice %arg2[%dma_wait3A_286, %dma_wait3A_287] : memref<101000x128xf32, #tpu.memory_space<hbm>> -> memref<128x128xf32, #tpu.memory_space<hbm>>
      tpu.wait_dma2 semaphore(%arg11 : memref<!tpu.dma_semaphore, #tpu.memory_space<semaphore_mem>>) src(%dma_wait3A_288 : memref<128x128xf32, #tpu.memory_space<hbm>>) dst(%dma_wait3A_285 : memref<128x128xf32, #tpu.memory_space<vmem>>)
      %dma_wait3A_289 = arith.constant 0 : i32
      %dma_wait3A_290 = arith.constant 0 : i32
      %dma_wait3A_291 = arith.constant 0 : i32
      %dma_wait3A_292 = tpu.memref_slice %arg4[%dma_wait3A_290, %dma_wait3A_291] : memref<819200x128xf32, #tpu.memory_space<hbm>> -> memref<128x128xf32, #tpu.memory_space<hbm>>
      %dma_wait3A_293 = arith.constant 0 : i32
      %dma_wait3A_294 = arith.constant 0 : i32
      %dma_wait3A_295 = tpu.memref_slice %arg7[%arg1, %dma_wait3A_289, %dma_wait3A_293, %dma_wait3A_294] : memref<16x2x128x128xf32, #tpu.memory_space<vmem_shared>> -> memref<1x1x128x128xf32, #tpu.memory_space<vmem_shared>>
      %dma_wait3A_296 = tpu.memref_squeeze %dma_wait3A_295 : memref<1x1x128x128xf32, #tpu.memory_space<vmem_shared>> -> memref<128x128xf32, #tpu.memory_space<vmem_shared>>
      tpu.wait_dma2 semaphore(%arg14 : memref<!tpu.dma_semaphore, #tpu.memory_space<semaphore_mem>>) src(%dma_wait3A_296 : memref<128x128xf32, #tpu.memory_space<vmem_shared>>) dst(%dma_wait3A_292 : memref<128x128xf32, #tpu.memory_space<hbm>>)
      %dma_start3A_297 = arith.constant 3 : i32
      %dma_start3A_298 = arith.constant 0 : i32
      %dma_start3A_299 = arith.constant 0 : i32
      %dma_start3A_300 = arith.constant 0 : i32
      %dma_start3A_301 = tpu.memref_slice %arg6[%dma_start3A_297, %dma_start3A_299, %dma_start3A_300] : memref<4x128x128xf32, #tpu.memory_space<vmem>> -> memref<1x128x128xf32, #tpu.memory_space<vmem>>
      %dma_start3A_302 = tpu.memref_squeeze %dma_start3A_301 : memref<1x128x128xf32, #tpu.memory_space<vmem>> -> memref<128x128xf32, #tpu.memory_space<vmem>>
      %dma_start3A_303 = arith.constant 0 : i32
      %dma_start3A_304 = arith.constant 0 : i32
      %dma_start3A_305 = tpu.memref_slice %arg7[%arg1, %dma_start3A_298, %dma_start3A_303, %dma_start3A_304] : memref<16x2x128x128xf32, #tpu.memory_space<vmem_shared>> -> memref<1x1x128x128xf32, #tpu.memory_space<vmem_shared>>
      %dma_start3A_306 = tpu.memref_squeeze %dma_start3A_305 : memref<1x1x128x128xf32, #tpu.memory_space<vmem_shared>> -> memref<128x128xf32, #tpu.memory_space<vmem_shared>>
      %dma_start3A_307 = arith.constant 0 : i32
      %dma_start3A_308 = arith.constant 0 : i32
      %dma_start3A_309 = tpu.memref_slice %arg7[%arg1, %dma_start3A_298, %dma_start3A_307, %dma_start3A_308] : memref<16x2x128x128xf32, #tpu.memory_space<vmem_shared>> -> memref<1x1x128x128xf32, #tpu.memory_space<vmem_shared>>
      %dma_start3A_310 = tpu.memref_squeeze %dma_start3A_309 : memref<1x1x128x128xf32, #tpu.memory_space<vmem_shared>> -> memref<128x128xf32, #tpu.memory_space<vmem_shared>>
      %dma_start3A_311 = arith.constant 0 : i32
      %dma_start3A_312 = arith.constant 0 : i32
      %dma_start3A_313 = tpu.memref_slice %arg6[%dma_start3A_297, %dma_start3A_311, %dma_start3A_312] : memref<4x128x128xf32, #tpu.memory_space<vmem>> -> memref<1x128x128xf32, #tpu.memory_space<vmem>>
      %dma_start3A_314 = tpu.memref_squeeze %dma_start3A_313 : memref<1x128x128xf32, #tpu.memory_space<vmem>> -> memref<128x128xf32, #tpu.memory_space<vmem>>
      tpu.enqueue_dma source(%dma_start3A_314 : memref<128x128xf32, #tpu.memory_space<vmem>>) target(%dma_start3A_310 : memref<128x128xf32, #tpu.memory_space<vmem_shared>>) target_semaphore(%arg12 : memref<!tpu.dma_semaphore, #tpu.memory_space<semaphore_mem>>)
      %dma_wait3A_315 = arith.constant 3 : i32
      %dma_wait3A_316 = arith.constant 0 : i32
      %dma_wait3A_317 = arith.constant 0 : i32
      %dma_wait3A_318 = arith.constant 0 : i32
      %dma_wait3A_319 = tpu.memref_slice %arg6[%dma_wait3A_315, %dma_wait3A_317, %dma_wait3A_318] : memref<4x128x128xf32, #tpu.memory_space<vmem>> -> memref<1x128x128xf32, #tpu.memory_space<vmem>>
      %dma_wait3A_320 = tpu.memref_squeeze %dma_wait3A_319 : memref<1x128x128xf32, #tpu.memory_space<vmem>> -> memref<128x128xf32, #tpu.memory_space<vmem>>
      %dma_wait3A_321 = arith.constant 0 : i32
      %dma_wait3A_322 = arith.constant 0 : i32
      %dma_wait3A_323 = tpu.memref_slice %arg7[%arg1, %dma_wait3A_316, %dma_wait3A_321, %dma_wait3A_322] : memref<16x2x128x128xf32, #tpu.memory_space<vmem_shared>> -> memref<1x1x128x128xf32, #tpu.memory_space<vmem_shared>>
      %dma_wait3A_324 = tpu.memref_squeeze %dma_wait3A_323 : memref<1x1x128x128xf32, #tpu.memory_space<vmem_shared>> -> memref<128x128xf32, #tpu.memory_space<vmem_shared>>
      %dma_wait3A_325 = arith.constant 0 : i32
      %dma_wait3A_326 = arith.constant 0 : i32
      %dma_wait3A_327 = tpu.memref_slice %arg7[%arg1, %dma_wait3A_316, %dma_wait3A_325, %dma_wait3A_326] : memref<16x2x128x128xf32, #tpu.memory_space<vmem_shared>> -> memref<1x1x128x128xf32, #tpu.memory_space<vmem_shared>>
      %dma_wait3A_328 = tpu.memref_squeeze %dma_wait3A_327 : memref<1x1x128x128xf32, #tpu.memory_space<vmem_shared>> -> memref<128x128xf32, #tpu.memory_space<vmem_shared>>
      %dma_wait3A_329 = arith.constant 0 : i32
      %dma_wait3A_330 = arith.constant 0 : i32
      %dma_wait3A_331 = tpu.memref_slice %arg6[%dma_wait3A_315, %dma_wait3A_329, %dma_wait3A_330] : memref<4x128x128xf32, #tpu.memory_space<vmem>> -> memref<1x128x128xf32, #tpu.memory_space<vmem>>
      %dma_wait3A_332 = tpu.memref_squeeze %dma_wait3A_331 : memref<1x128x128xf32, #tpu.memory_space<vmem>> -> memref<128x128xf32, #tpu.memory_space<vmem>>
      tpu.wait_dma2 semaphore(%arg12 : memref<!tpu.dma_semaphore, #tpu.memory_space<semaphore_mem>>) src(%dma_wait3A_332 : memref<128x128xf32, #tpu.memory_space<vmem>>) dst(%dma_wait3A_328 : memref<128x128xf32, #tpu.memory_space<vmem_shared>>)
      %mul3A_333 = arith.constant 128 : i32
      %mul3A_334 = arith.muli %add3A_273, %mul3A_333 : i32
      %add3A_335 = arith.addi %mul3A_2, %mul3A_334 : i32
      %dma_start3A_336 = arith.constant 0 : i32
      %dma_start3A_337 = arith.constant 0 : i32
      %dma_start3A_338 = tpu.memref_slice %arg4[%add3A_335, %dma_start3A_337] : memref<819200x128xf32, #tpu.memory_space<hbm>> -> memref<128x128xf32, #tpu.memory_space<hbm>>
      %dma_start3A_339 = arith.constant 0 : i32
      %dma_start3A_340 = arith.constant 0 : i32
      %dma_start3A_341 = tpu.memref_slice %arg7[%arg1, %dma_start3A_336, %dma_start3A_339, %dma_start3A_340] : memref<16x2x128x128xf32, #tpu.memory_space<vmem_shared>> -> memref<1x1x128x128xf32, #tpu.memory_space<vmem_shared>>
      %dma_start3A_342 = tpu.memref_squeeze %dma_start3A_341 : memref<1x1x128x128xf32, #tpu.memory_space<vmem_shared>> -> memref<128x128xf32, #tpu.memory_space<vmem_shared>>
      tpu.enqueue_dma source(%dma_start3A_342 : memref<128x128xf32, #tpu.memory_space<vmem_shared>>) target(%dma_start3A_338 : memref<128x128xf32, #tpu.memory_space<hbm>>) target_semaphore(%arg14 : memref<!tpu.dma_semaphore, #tpu.memory_space<semaphore_mem>>)
      %add3A_343 = arith.constant 4 : i32
      %add3A_344 = arith.addi %add3A_273, %add3A_343 : i32
      %lt3A_345 = arith.constant 200 : i32
      %lt3A_346 = arith.cmpi slt, %add3A_344, %lt3A_345 : i32
      %convert_element_type3A_347 = arith.extui %lt3A_346 : i1 to i32
      %cond3A_348 = arith.constant 0 : i32
      %cond3A_349 = arith.cmpi ne, %convert_element_type3A_347, %cond3A_348 : i32
      scf.if %cond3A_349 {
        %add3A_647 = arith.constant 4 : i32
        %add3A_648 = arith.addi %add3A_273, %add3A_647 : i32
        %mul3A_649 = arith.constant 128 : i32
        %mul3A_650 = arith.muli %add3A_648, %mul3A_649 : i32
        %dma_start3A_651 = arith.constant 3 : i32
        %dma_start3A_652 = arith.constant 0 : i32
        %dma_start3A_653 = arith.constant 0 : i32
        %dma_start3A_654 = tpu.memref_slice %arg6[%dma_start3A_651, %dma_start3A_652, %dma_start3A_653] : memref<4x128x128xf32, #tpu.memory_space<vmem>> -> memref<1x128x128xf32, #tpu.memory_space<vmem>>
        %dma_start3A_655 = tpu.memref_squeeze %dma_start3A_654 : memref<1x128x128xf32, #tpu.memory_space<vmem>> -> memref<128x128xf32, #tpu.memory_space<vmem>>
        %dma_start3A_656 = tpu.memref_slice %arg5[%mul3A_650] : memref<25600xi32, #tpu.memory_space<vmem>> -> memref<128xi32, #tpu.memory_space<vmem>>
        %dma_start3A_657 = arith.constant 0 : i32
        %dma_start3A_658 = arith.constant 0 : i32
        %dma_start3A_659 = tpu.memref_slice %arg2[%dma_start3A_657, %dma_start3A_658] : memref<101000x128xf32, #tpu.memory_space<hbm>> -> memref<101000x128xf32, #tpu.memory_space<hbm>>
        tpu.enqueue_indirect_dma source(%dma_start3A_659 : memref<101000x128xf32, #tpu.memory_space<hbm>>) target(%dma_start3A_655 : memref<128x128xf32, #tpu.memory_space<vmem>>) offsets(%dma_start3A_656 : memref<128xi32, #tpu.memory_space<vmem>>) semaphore(%arg11 : memref<!tpu.dma_semaphore, #tpu.memory_space<semaphore_mem>>)
      } else {
      }
      %mul3A_350 = arith.constant 8 : i32
      %mul3A_351 = arith.muli %mul3A_350, %scan3A_62 : i32
      %add3A_352 = arith.constant 4 : i32
      %add3A_353 = arith.addi %mul3A_351, %add3A_352 : i32
      %dma_wait3A_354 = arith.constant 0 : i32
      %dma_wait3A_355 = arith.constant 0 : i32
      %dma_wait3A_356 = arith.constant 0 : i32
      %dma_wait3A_357 = tpu.memref_slice %arg6[%dma_wait3A_354, %dma_wait3A_355, %dma_wait3A_356] : memref<4x128x128xf32, #tpu.memory_space<vmem>> -> memref<1x128x128xf32, #tpu.memory_space<vmem>>
      %dma_wait3A_358 = tpu.memref_squeeze %dma_wait3A_357 : memref<1x128x128xf32, #tpu.memory_space<vmem>> -> memref<128x128xf32, #tpu.memory_space<vmem>>
      %dma_wait3A_359 = arith.constant 0 : i32
      %dma_wait3A_360 = arith.constant 0 : i32
      %dma_wait3A_361 = tpu.memref_slice %arg2[%dma_wait3A_359, %dma_wait3A_360] : memref<101000x128xf32, #tpu.memory_space<hbm>> -> memref<128x128xf32, #tpu.memory_space<hbm>>
      %dma_wait3A_362 = arith.constant 0 : i32
      %dma_wait3A_363 = arith.constant 0 : i32
      %dma_wait3A_364 = tpu.memref_slice %arg6[%dma_wait3A_354, %dma_wait3A_362, %dma_wait3A_363] : memref<4x128x128xf32, #tpu.memory_space<vmem>> -> memref<1x128x128xf32, #tpu.memory_space<vmem>>
      %dma_wait3A_365 = tpu.memref_squeeze %dma_wait3A_364 : memref<1x128x128xf32, #tpu.memory_space<vmem>> -> memref<128x128xf32, #tpu.memory_space<vmem>>
      %dma_wait3A_366 = arith.constant 0 : i32
      %dma_wait3A_367 = arith.constant 0 : i32
      %dma_wait3A_368 = tpu.memref_slice %arg2[%dma_wait3A_366, %dma_wait3A_367] : memref<101000x128xf32, #tpu.memory_space<hbm>> -> memref<128x128xf32, #tpu.memory_space<hbm>>
      tpu.wait_dma2 semaphore(%arg8 : memref<!tpu.dma_semaphore, #tpu.memory_space<semaphore_mem>>) src(%dma_wait3A_368 : memref<128x128xf32, #tpu.memory_space<hbm>>) dst(%dma_wait3A_365 : memref<128x128xf32, #tpu.memory_space<vmem>>)
      %mul3A_369 = arith.constant 128 : i32
      %mul3A_370 = arith.muli %add3A_353, %mul3A_369 : i32
      %add3A_371 = arith.addi %mul3A_2, %mul3A_370 : i32
      %dma_start3A_372 = arith.constant 0 : i32
      %dma_start3A_373 = arith.constant 0 : i32
      %dma_start3A_374 = arith.constant 0 : i32
      %dma_start3A_375 = tpu.memref_slice %arg6[%dma_start3A_372, %dma_start3A_373, %dma_start3A_374] : memref<4x128x128xf32, #tpu.memory_space<vmem>> -> memref<1x128x128xf32, #tpu.memory_space<vmem>>
      %dma_start3A_376 = tpu.memref_squeeze %dma_start3A_375 : memref<1x128x128xf32, #tpu.memory_space<vmem>> -> memref<128x128xf32, #tpu.memory_space<vmem>>
      %dma_start3A_377 = arith.constant 0 : i32
      %dma_start3A_378 = tpu.memref_slice %arg4[%add3A_371, %dma_start3A_377] : memref<819200x128xf32, #tpu.memory_space<hbm>> -> memref<128x128xf32, #tpu.memory_space<hbm>>
      %dma_start3A_379 = arith.constant 0 : i32
      %dma_start3A_380 = tpu.memref_slice %arg4[%add3A_371, %dma_start3A_379] : memref<819200x128xf32, #tpu.memory_space<hbm>> -> memref<128x128xf32, #tpu.memory_space<hbm>>
      %dma_start3A_381 = arith.constant 0 : i32
      %dma_start3A_382 = arith.constant 0 : i32
      %dma_start3A_383 = tpu.memref_slice %arg6[%dma_start3A_372, %dma_start3A_381, %dma_start3A_382] : memref<4x128x128xf32, #tpu.memory_space<vmem>> -> memref<1x128x128xf32, #tpu.memory_space<vmem>>
      %dma_start3A_384 = tpu.memref_squeeze %dma_start3A_383 : memref<1x128x128xf32, #tpu.memory_space<vmem>> -> memref<128x128xf32, #tpu.memory_space<vmem>>
      tpu.enqueue_dma source(%dma_start3A_384 : memref<128x128xf32, #tpu.memory_space<vmem>>) target(%dma_start3A_380 : memref<128x128xf32, #tpu.memory_space<hbm>>) target_semaphore(%arg13 : memref<!tpu.dma_semaphore, #tpu.memory_space<semaphore_mem>>)
      %dma_wait3A_385 = arith.constant 0 : i32
      %dma_wait3A_386 = arith.constant 0 : i32
      %dma_wait3A_387 = arith.constant 0 : i32
      %dma_wait3A_388 = tpu.memref_slice %arg6[%dma_wait3A_385, %dma_wait3A_386, %dma_wait3A_387] : memref<4x128x128xf32, #tpu.memory_space<vmem>> -> memref<1x128x128xf32, #tpu.memory_space<vmem>>
      %dma_wait3A_389 = tpu.memref_squeeze %dma_wait3A_388 : memref<1x128x128xf32, #tpu.memory_space<vmem>> -> memref<128x128xf32, #tpu.memory_space<vmem>>
      %dma_wait3A_390 = arith.constant 0 : i32
      %dma_wait3A_391 = arith.constant 0 : i32
      %dma_wait3A_392 = tpu.memref_slice %arg4[%dma_wait3A_390, %dma_wait3A_391] : memref<819200x128xf32, #tpu.memory_space<hbm>> -> memref<128x128xf32, #tpu.memory_space<hbm>>
      %dma_wait3A_393 = arith.constant 0 : i32
      %dma_wait3A_394 = arith.constant 0 : i32
      %dma_wait3A_395 = tpu.memref_slice %arg4[%dma_wait3A_393, %dma_wait3A_394] : memref<819200x128xf32, #tpu.memory_space<hbm>> -> memref<128x128xf32, #tpu.memory_space<hbm>>
      %dma_wait3A_396 = arith.constant 0 : i32
      %dma_wait3A_397 = arith.constant 0 : i32
      %dma_wait3A_398 = tpu.memref_slice %arg6[%dma_wait3A_385, %dma_wait3A_396, %dma_wait3A_397] : memref<4x128x128xf32, #tpu.memory_space<vmem>> -> memref<1x128x128xf32, #tpu.memory_space<vmem>>
      %dma_wait3A_399 = tpu.memref_squeeze %dma_wait3A_398 : memref<1x128x128xf32, #tpu.memory_space<vmem>> -> memref<128x128xf32, #tpu.memory_space<vmem>>
      tpu.wait_dma2 semaphore(%arg13 : memref<!tpu.dma_semaphore, #tpu.memory_space<semaphore_mem>>) src(%dma_wait3A_399 : memref<128x128xf32, #tpu.memory_space<vmem>>) dst(%dma_wait3A_395 : memref<128x128xf32, #tpu.memory_space<hbm>>)
      %add3A_400 = arith.constant 4 : i32
      %add3A_401 = arith.addi %add3A_353, %add3A_400 : i32
      %lt3A_402 = arith.constant 200 : i32
      %lt3A_403 = arith.cmpi slt, %add3A_401, %lt3A_402 : i32
      %convert_element_type3A_404 = arith.extui %lt3A_403 : i1 to i32
      %cond3A_405 = arith.constant 0 : i32
      %cond3A_406 = arith.cmpi ne, %convert_element_type3A_404, %cond3A_405 : i32
      scf.if %cond3A_406 {
        %add3A_647 = arith.constant 4 : i32
        %add3A_648 = arith.addi %add3A_353, %add3A_647 : i32
        %mul3A_649 = arith.constant 128 : i32
        %mul3A_650 = arith.muli %add3A_648, %mul3A_649 : i32
        %dma_start3A_651 = arith.constant 0 : i32
        %dma_start3A_652 = arith.constant 0 : i32
        %dma_start3A_653 = arith.constant 0 : i32
        %dma_start3A_654 = tpu.memref_slice %arg6[%dma_start3A_651, %dma_start3A_652, %dma_start3A_653] : memref<4x128x128xf32, #tpu.memory_space<vmem>> -> memref<1x128x128xf32, #tpu.memory_space<vmem>>
        %dma_start3A_655 = tpu.memref_squeeze %dma_start3A_654 : memref<1x128x128xf32, #tpu.memory_space<vmem>> -> memref<128x128xf32, #tpu.memory_space<vmem>>
        %dma_start3A_656 = tpu.memref_slice %arg5[%mul3A_650] : memref<25600xi32, #tpu.memory_space<vmem>> -> memref<128xi32, #tpu.memory_space<vmem>>
        %dma_start3A_657 = arith.constant 0 : i32
        %dma_start3A_658 = arith.constant 0 : i32
        %dma_start3A_659 = tpu.memref_slice %arg2[%dma_start3A_657, %dma_start3A_658] : memref<101000x128xf32, #tpu.memory_space<hbm>> -> memref<101000x128xf32, #tpu.memory_space<hbm>>
        tpu.enqueue_indirect_dma source(%dma_start3A_659 : memref<101000x128xf32, #tpu.memory_space<hbm>>) target(%dma_start3A_655 : memref<128x128xf32, #tpu.memory_space<vmem>>) offsets(%dma_start3A_656 : memref<128xi32, #tpu.memory_space<vmem>>) semaphore(%arg8 : memref<!tpu.dma_semaphore, #tpu.memory_space<semaphore_mem>>)
      } else {
      }
      %mul3A_407 = arith.constant 8 : i32
      %mul3A_408 = arith.muli %mul3A_407, %scan3A_62 : i32
      %add3A_409 = arith.constant 5 : i32
      %add3A_410 = arith.addi %mul3A_408, %add3A_409 : i32
      %dma_wait3A_411 = arith.constant 1 : i32
      %dma_wait3A_412 = arith.constant 0 : i32
      %dma_wait3A_413 = arith.constant 0 : i32
      %dma_wait3A_414 = tpu.memref_slice %arg6[%dma_wait3A_411, %dma_wait3A_412, %dma_wait3A_413] : memref<4x128x128xf32, #tpu.memory_space<vmem>> -> memref<1x128x128xf32, #tpu.memory_space<vmem>>
      %dma_wait3A_415 = tpu.memref_squeeze %dma_wait3A_414 : memref<1x128x128xf32, #tpu.memory_space<vmem>> -> memref<128x128xf32, #tpu.memory_space<vmem>>
      %dma_wait3A_416 = arith.constant 0 : i32
      %dma_wait3A_417 = arith.constant 0 : i32
      %dma_wait3A_418 = tpu.memref_slice %arg2[%dma_wait3A_416, %dma_wait3A_417] : memref<101000x128xf32, #tpu.memory_space<hbm>> -> memref<128x128xf32, #tpu.memory_space<hbm>>
      %dma_wait3A_419 = arith.constant 0 : i32
      %dma_wait3A_420 = arith.constant 0 : i32
      %dma_wait3A_421 = tpu.memref_slice %arg6[%dma_wait3A_411, %dma_wait3A_419, %dma_wait3A_420] : memref<4x128x128xf32, #tpu.memory_space<vmem>> -> memref<1x128x128xf32, #tpu.memory_space<vmem>>
      %dma_wait3A_422 = tpu.memref_squeeze %dma_wait3A_421 : memref<1x128x128xf32, #tpu.memory_space<vmem>> -> memref<128x128xf32, #tpu.memory_space<vmem>>
      %dma_wait3A_423 = arith.constant 0 : i32
      %dma_wait3A_424 = arith.constant 0 : i32
      %dma_wait3A_425 = tpu.memref_slice %arg2[%dma_wait3A_423, %dma_wait3A_424] : memref<101000x128xf32, #tpu.memory_space<hbm>> -> memref<128x128xf32, #tpu.memory_space<hbm>>
      tpu.wait_dma2 semaphore(%arg9 : memref<!tpu.dma_semaphore, #tpu.memory_space<semaphore_mem>>) src(%dma_wait3A_425 : memref<128x128xf32, #tpu.memory_space<hbm>>) dst(%dma_wait3A_422 : memref<128x128xf32, #tpu.memory_space<vmem>>)
      %dma_wait3A_426 = arith.constant 1 : i32
      %dma_wait3A_427 = arith.constant 0 : i32
      %dma_wait3A_428 = arith.constant 0 : i32
      %dma_wait3A_429 = tpu.memref_slice %arg4[%dma_wait3A_427, %dma_wait3A_428] : memref<819200x128xf32, #tpu.memory_space<hbm>> -> memref<128x128xf32, #tpu.memory_space<hbm>>
      %dma_wait3A_430 = arith.constant 0 : i32
      %dma_wait3A_431 = arith.constant 0 : i32
      %dma_wait3A_432 = tpu.memref_slice %arg7[%arg1, %dma_wait3A_426, %dma_wait3A_430, %dma_wait3A_431] : memref<16x2x128x128xf32, #tpu.memory_space<vmem_shared>> -> memref<1x1x128x128xf32, #tpu.memory_space<vmem_shared>>
      %dma_wait3A_433 = tpu.memref_squeeze %dma_wait3A_432 : memref<1x1x128x128xf32, #tpu.memory_space<vmem_shared>> -> memref<128x128xf32, #tpu.memory_space<vmem_shared>>
      tpu.wait_dma2 semaphore(%arg15 : memref<!tpu.dma_semaphore, #tpu.memory_space<semaphore_mem>>) src(%dma_wait3A_433 : memref<128x128xf32, #tpu.memory_space<vmem_shared>>) dst(%dma_wait3A_429 : memref<128x128xf32, #tpu.memory_space<hbm>>)
      %dma_start3A_434 = arith.constant 1 : i32
      %dma_start3A_435 = arith.constant 1 : i32
      %dma_start3A_436 = arith.constant 0 : i32
      %dma_start3A_437 = arith.constant 0 : i32
      %dma_start3A_438 = tpu.memref_slice %arg6[%dma_start3A_434, %dma_start3A_436, %dma_start3A_437] : memref<4x128x128xf32, #tpu.memory_space<vmem>> -> memref<1x128x128xf32, #tpu.memory_space<vmem>>
      %dma_start3A_439 = tpu.memref_squeeze %dma_start3A_438 : memref<1x128x128xf32, #tpu.memory_space<vmem>> -> memref<128x128xf32, #tpu.memory_space<vmem>>
      %dma_start3A_440 = arith.constant 0 : i32
      %dma_start3A_441 = arith.constant 0 : i32
      %dma_start3A_442 = tpu.memref_slice %arg7[%arg1, %dma_start3A_435, %dma_start3A_440, %dma_start3A_441] : memref<16x2x128x128xf32, #tpu.memory_space<vmem_shared>> -> memref<1x1x128x128xf32, #tpu.memory_space<vmem_shared>>
      %dma_start3A_443 = tpu.memref_squeeze %dma_start3A_442 : memref<1x1x128x128xf32, #tpu.memory_space<vmem_shared>> -> memref<128x128xf32, #tpu.memory_space<vmem_shared>>
      %dma_start3A_444 = arith.constant 0 : i32
      %dma_start3A_445 = arith.constant 0 : i32
      %dma_start3A_446 = tpu.memref_slice %arg7[%arg1, %dma_start3A_435, %dma_start3A_444, %dma_start3A_445] : memref<16x2x128x128xf32, #tpu.memory_space<vmem_shared>> -> memref<1x1x128x128xf32, #tpu.memory_space<vmem_shared>>
      %dma_start3A_447 = tpu.memref_squeeze %dma_start3A_446 : memref<1x1x128x128xf32, #tpu.memory_space<vmem_shared>> -> memref<128x128xf32, #tpu.memory_space<vmem_shared>>
      %dma_start3A_448 = arith.constant 0 : i32
      %dma_start3A_449 = arith.constant 0 : i32
      %dma_start3A_450 = tpu.memref_slice %arg6[%dma_start3A_434, %dma_start3A_448, %dma_start3A_449] : memref<4x128x128xf32, #tpu.memory_space<vmem>> -> memref<1x128x128xf32, #tpu.memory_space<vmem>>
      %dma_start3A_451 = tpu.memref_squeeze %dma_start3A_450 : memref<1x128x128xf32, #tpu.memory_space<vmem>> -> memref<128x128xf32, #tpu.memory_space<vmem>>
      tpu.enqueue_dma source(%dma_start3A_451 : memref<128x128xf32, #tpu.memory_space<vmem>>) target(%dma_start3A_447 : memref<128x128xf32, #tpu.memory_space<vmem_shared>>) target_semaphore(%arg12 : memref<!tpu.dma_semaphore, #tpu.memory_space<semaphore_mem>>)
      %dma_wait3A_452 = arith.constant 1 : i32
      %dma_wait3A_453 = arith.constant 1 : i32
      %dma_wait3A_454 = arith.constant 0 : i32
      %dma_wait3A_455 = arith.constant 0 : i32
      %dma_wait3A_456 = tpu.memref_slice %arg6[%dma_wait3A_452, %dma_wait3A_454, %dma_wait3A_455] : memref<4x128x128xf32, #tpu.memory_space<vmem>> -> memref<1x128x128xf32, #tpu.memory_space<vmem>>
      %dma_wait3A_457 = tpu.memref_squeeze %dma_wait3A_456 : memref<1x128x128xf32, #tpu.memory_space<vmem>> -> memref<128x128xf32, #tpu.memory_space<vmem>>
      %dma_wait3A_458 = arith.constant 0 : i32
      %dma_wait3A_459 = arith.constant 0 : i32
      %dma_wait3A_460 = tpu.memref_slice %arg7[%arg1, %dma_wait3A_453, %dma_wait3A_458, %dma_wait3A_459] : memref<16x2x128x128xf32, #tpu.memory_space<vmem_shared>> -> memref<1x1x128x128xf32, #tpu.memory_space<vmem_shared>>
      %dma_wait3A_461 = tpu.memref_squeeze %dma_wait3A_460 : memref<1x1x128x128xf32, #tpu.memory_space<vmem_shared>> -> memref<128x128xf32, #tpu.memory_space<vmem_shared>>
      %dma_wait3A_462 = arith.constant 0 : i32
      %dma_wait3A_463 = arith.constant 0 : i32
      %dma_wait3A_464 = tpu.memref_slice %arg7[%arg1, %dma_wait3A_453, %dma_wait3A_462, %dma_wait3A_463] : memref<16x2x128x128xf32, #tpu.memory_space<vmem_shared>> -> memref<1x1x128x128xf32, #tpu.memory_space<vmem_shared>>
      %dma_wait3A_465 = tpu.memref_squeeze %dma_wait3A_464 : memref<1x1x128x128xf32, #tpu.memory_space<vmem_shared>> -> memref<128x128xf32, #tpu.memory_space<vmem_shared>>
      %dma_wait3A_466 = arith.constant 0 : i32
      %dma_wait3A_467 = arith.constant 0 : i32
      %dma_wait3A_468 = tpu.memref_slice %arg6[%dma_wait3A_452, %dma_wait3A_466, %dma_wait3A_467] : memref<4x128x128xf32, #tpu.memory_space<vmem>> -> memref<1x128x128xf32, #tpu.memory_space<vmem>>
      %dma_wait3A_469 = tpu.memref_squeeze %dma_wait3A_468 : memref<1x128x128xf32, #tpu.memory_space<vmem>> -> memref<128x128xf32, #tpu.memory_space<vmem>>
      tpu.wait_dma2 semaphore(%arg12 : memref<!tpu.dma_semaphore, #tpu.memory_space<semaphore_mem>>) src(%dma_wait3A_469 : memref<128x128xf32, #tpu.memory_space<vmem>>) dst(%dma_wait3A_465 : memref<128x128xf32, #tpu.memory_space<vmem_shared>>)
      %mul3A_470 = arith.constant 128 : i32
      %mul3A_471 = arith.muli %add3A_410, %mul3A_470 : i32
      %add3A_472 = arith.addi %mul3A_2, %mul3A_471 : i32
      %dma_start3A_473 = arith.constant 1 : i32
      %dma_start3A_474 = arith.constant 0 : i32
      %dma_start3A_475 = tpu.memref_slice %arg4[%add3A_472, %dma_start3A_474] : memref<819200x128xf32, #tpu.memory_space<hbm>> -> memref<128x128xf32, #tpu.memory_space<hbm>>
      %dma_start3A_476 = arith.constant 0 : i32
      %dma_start3A_477 = arith.constant 0 : i32
      %dma_start3A_478 = tpu.memref_slice %arg7[%arg1, %dma_start3A_473, %dma_start3A_476, %dma_start3A_477] : memref<16x2x128x128xf32, #tpu.memory_space<vmem_shared>> -> memref<1x1x128x128xf32, #tpu.memory_space<vmem_shared>>
      %dma_start3A_479 = tpu.memref_squeeze %dma_start3A_478 : memref<1x1x128x128xf32, #tpu.memory_space<vmem_shared>> -> memref<128x128xf32, #tpu.memory_space<vmem_shared>>
      tpu.enqueue_dma source(%dma_start3A_479 : memref<128x128xf32, #tpu.memory_space<vmem_shared>>) target(%dma_start3A_475 : memref<128x128xf32, #tpu.memory_space<hbm>>) target_semaphore(%arg15 : memref<!tpu.dma_semaphore, #tpu.memory_space<semaphore_mem>>)
      %add3A_480 = arith.constant 4 : i32
      %add3A_481 = arith.addi %add3A_410, %add3A_480 : i32
      %lt3A_482 = arith.constant 200 : i32
      %lt3A_483 = arith.cmpi slt, %add3A_481, %lt3A_482 : i32
      %convert_element_type3A_484 = arith.extui %lt3A_483 : i1 to i32
      %cond3A_485 = arith.constant 0 : i32
      %cond3A_486 = arith.cmpi ne, %convert_element_type3A_484, %cond3A_485 : i32
      scf.if %cond3A_486 {
        %add3A_647 = arith.constant 4 : i32
        %add3A_648 = arith.addi %add3A_410, %add3A_647 : i32
        %mul3A_649 = arith.constant 128 : i32
        %mul3A_650 = arith.muli %add3A_648, %mul3A_649 : i32
        %dma_start3A_651 = arith.constant 1 : i32
        %dma_start3A_652 = arith.constant 0 : i32
        %dma_start3A_653 = arith.constant 0 : i32
        %dma_start3A_654 = tpu.memref_slice %arg6[%dma_start3A_651, %dma_start3A_652, %dma_start3A_653] : memref<4x128x128xf32, #tpu.memory_space<vmem>> -> memref<1x128x128xf32, #tpu.memory_space<vmem>>
        %dma_start3A_655 = tpu.memref_squeeze %dma_start3A_654 : memref<1x128x128xf32, #tpu.memory_space<vmem>> -> memref<128x128xf32, #tpu.memory_space<vmem>>
        %dma_start3A_656 = tpu.memref_slice %arg5[%mul3A_650] : memref<25600xi32, #tpu.memory_space<vmem>> -> memref<128xi32, #tpu.memory_space<vmem>>
        %dma_start3A_657 = arith.constant 0 : i32
        %dma_start3A_658 = arith.constant 0 : i32
        %dma_start3A_659 = tpu.memref_slice %arg2[%dma_start3A_657, %dma_start3A_658] : memref<101000x128xf32, #tpu.memory_space<hbm>> -> memref<101000x128xf32, #tpu.memory_space<hbm>>
        tpu.enqueue_indirect_dma source(%dma_start3A_659 : memref<101000x128xf32, #tpu.memory_space<hbm>>) target(%dma_start3A_655 : memref<128x128xf32, #tpu.memory_space<vmem>>) offsets(%dma_start3A_656 : memref<128xi32, #tpu.memory_space<vmem>>) semaphore(%arg9 : memref<!tpu.dma_semaphore, #tpu.memory_space<semaphore_mem>>)
      } else {
      }
      %mul3A_487 = arith.constant 8 : i32
      %mul3A_488 = arith.muli %mul3A_487, %scan3A_62 : i32
      %add3A_489 = arith.constant 6 : i32
      %add3A_490 = arith.addi %mul3A_488, %add3A_489 : i32
      %dma_wait3A_491 = arith.constant 2 : i32
      %dma_wait3A_492 = arith.constant 0 : i32
      %dma_wait3A_493 = arith.constant 0 : i32
      %dma_wait3A_494 = tpu.memref_slice %arg6[%dma_wait3A_491, %dma_wait3A_492, %dma_wait3A_493] : memref<4x128x128xf32, #tpu.memory_space<vmem>> -> memref<1x128x128xf32, #tpu.memory_space<vmem>>
      %dma_wait3A_495 = tpu.memref_squeeze %dma_wait3A_494 : memref<1x128x128xf32, #tpu.memory_space<vmem>> -> memref<128x128xf32, #tpu.memory_space<vmem>>
      %dma_wait3A_496 = arith.constant 0 : i32
      %dma_wait3A_497 = arith.constant 0 : i32
      %dma_wait3A_498 = tpu.memref_slice %arg2[%dma_wait3A_496, %dma_wait3A_497] : memref<101000x128xf32, #tpu.memory_space<hbm>> -> memref<128x128xf32, #tpu.memory_space<hbm>>
      %dma_wait3A_499 = arith.constant 0 : i32
      %dma_wait3A_500 = arith.constant 0 : i32
      %dma_wait3A_501 = tpu.memref_slice %arg6[%dma_wait3A_491, %dma_wait3A_499, %dma_wait3A_500] : memref<4x128x128xf32, #tpu.memory_space<vmem>> -> memref<1x128x128xf32, #tpu.memory_space<vmem>>
      %dma_wait3A_502 = tpu.memref_squeeze %dma_wait3A_501 : memref<1x128x128xf32, #tpu.memory_space<vmem>> -> memref<128x128xf32, #tpu.memory_space<vmem>>
      %dma_wait3A_503 = arith.constant 0 : i32
      %dma_wait3A_504 = arith.constant 0 : i32
      %dma_wait3A_505 = tpu.memref_slice %arg2[%dma_wait3A_503, %dma_wait3A_504] : memref<101000x128xf32, #tpu.memory_space<hbm>> -> memref<128x128xf32, #tpu.memory_space<hbm>>
      tpu.wait_dma2 semaphore(%arg10 : memref<!tpu.dma_semaphore, #tpu.memory_space<semaphore_mem>>) src(%dma_wait3A_505 : memref<128x128xf32, #tpu.memory_space<hbm>>) dst(%dma_wait3A_502 : memref<128x128xf32, #tpu.memory_space<vmem>>)
      %dma_wait3A_506 = arith.constant 0 : i32
      %dma_wait3A_507 = arith.constant 0 : i32
      %dma_wait3A_508 = arith.constant 0 : i32
      %dma_wait3A_509 = tpu.memref_slice %arg4[%dma_wait3A_507, %dma_wait3A_508] : memref<819200x128xf32, #tpu.memory_space<hbm>> -> memref<128x128xf32, #tpu.memory_space<hbm>>
      %dma_wait3A_510 = arith.constant 0 : i32
      %dma_wait3A_511 = arith.constant 0 : i32
      %dma_wait3A_512 = tpu.memref_slice %arg7[%arg1, %dma_wait3A_506, %dma_wait3A_510, %dma_wait3A_511] : memref<16x2x128x128xf32, #tpu.memory_space<vmem_shared>> -> memref<1x1x128x128xf32, #tpu.memory_space<vmem_shared>>
      %dma_wait3A_513 = tpu.memref_squeeze %dma_wait3A_512 : memref<1x1x128x128xf32, #tpu.memory_space<vmem_shared>> -> memref<128x128xf32, #tpu.memory_space<vmem_shared>>
      tpu.wait_dma2 semaphore(%arg14 : memref<!tpu.dma_semaphore, #tpu.memory_space<semaphore_mem>>) src(%dma_wait3A_513 : memref<128x128xf32, #tpu.memory_space<vmem_shared>>) dst(%dma_wait3A_509 : memref<128x128xf32, #tpu.memory_space<hbm>>)
      %dma_start3A_514 = arith.constant 2 : i32
      %dma_start3A_515 = arith.constant 0 : i32
      %dma_start3A_516 = arith.constant 0 : i32
      %dma_start3A_517 = arith.constant 0 : i32
      %dma_start3A_518 = tpu.memref_slice %arg6[%dma_start3A_514, %dma_start3A_516, %dma_start3A_517] : memref<4x128x128xf32, #tpu.memory_space<vmem>> -> memref<1x128x128xf32, #tpu.memory_space<vmem>>
      %dma_start3A_519 = tpu.memref_squeeze %dma_start3A_518 : memref<1x128x128xf32, #tpu.memory_space<vmem>> -> memref<128x128xf32, #tpu.memory_space<vmem>>
      %dma_start3A_520 = arith.constant 0 : i32
      %dma_start3A_521 = arith.constant 0 : i32
      %dma_start3A_522 = tpu.memref_slice %arg7[%arg1, %dma_start3A_515, %dma_start3A_520, %dma_start3A_521] : memref<16x2x128x128xf32, #tpu.memory_space<vmem_shared>> -> memref<1x1x128x128xf32, #tpu.memory_space<vmem_shared>>
      %dma_start3A_523 = tpu.memref_squeeze %dma_start3A_522 : memref<1x1x128x128xf32, #tpu.memory_space<vmem_shared>> -> memref<128x128xf32, #tpu.memory_space<vmem_shared>>
      %dma_start3A_524 = arith.constant 0 : i32
      %dma_start3A_525 = arith.constant 0 : i32
      %dma_start3A_526 = tpu.memref_slice %arg7[%arg1, %dma_start3A_515, %dma_start3A_524, %dma_start3A_525] : memref<16x2x128x128xf32, #tpu.memory_space<vmem_shared>> -> memref<1x1x128x128xf32, #tpu.memory_space<vmem_shared>>
      %dma_start3A_527 = tpu.memref_squeeze %dma_start3A_526 : memref<1x1x128x128xf32, #tpu.memory_space<vmem_shared>> -> memref<128x128xf32, #tpu.memory_space<vmem_shared>>
      %dma_start3A_528 = arith.constant 0 : i32
      %dma_start3A_529 = arith.constant 0 : i32
      %dma_start3A_530 = tpu.memref_slice %arg6[%dma_start3A_514, %dma_start3A_528, %dma_start3A_529] : memref<4x128x128xf32, #tpu.memory_space<vmem>> -> memref<1x128x128xf32, #tpu.memory_space<vmem>>
      %dma_start3A_531 = tpu.memref_squeeze %dma_start3A_530 : memref<1x128x128xf32, #tpu.memory_space<vmem>> -> memref<128x128xf32, #tpu.memory_space<vmem>>
      tpu.enqueue_dma source(%dma_start3A_531 : memref<128x128xf32, #tpu.memory_space<vmem>>) target(%dma_start3A_527 : memref<128x128xf32, #tpu.memory_space<vmem_shared>>) target_semaphore(%arg12 : memref<!tpu.dma_semaphore, #tpu.memory_space<semaphore_mem>>)
      %dma_wait3A_532 = arith.constant 2 : i32
      %dma_wait3A_533 = arith.constant 0 : i32
      %dma_wait3A_534 = arith.constant 0 : i32
      %dma_wait3A_535 = arith.constant 0 : i32
      %dma_wait3A_536 = tpu.memref_slice %arg6[%dma_wait3A_532, %dma_wait3A_534, %dma_wait3A_535] : memref<4x128x128xf32, #tpu.memory_space<vmem>> -> memref<1x128x128xf32, #tpu.memory_space<vmem>>
      %dma_wait3A_537 = tpu.memref_squeeze %dma_wait3A_536 : memref<1x128x128xf32, #tpu.memory_space<vmem>> -> memref<128x128xf32, #tpu.memory_space<vmem>>
      %dma_wait3A_538 = arith.constant 0 : i32
      %dma_wait3A_539 = arith.constant 0 : i32
      %dma_wait3A_540 = tpu.memref_slice %arg7[%arg1, %dma_wait3A_533, %dma_wait3A_538, %dma_wait3A_539] : memref<16x2x128x128xf32, #tpu.memory_space<vmem_shared>> -> memref<1x1x128x128xf32, #tpu.memory_space<vmem_shared>>
      %dma_wait3A_541 = tpu.memref_squeeze %dma_wait3A_540 : memref<1x1x128x128xf32, #tpu.memory_space<vmem_shared>> -> memref<128x128xf32, #tpu.memory_space<vmem_shared>>
      %dma_wait3A_542 = arith.constant 0 : i32
      %dma_wait3A_543 = arith.constant 0 : i32
      %dma_wait3A_544 = tpu.memref_slice %arg7[%arg1, %dma_wait3A_533, %dma_wait3A_542, %dma_wait3A_543] : memref<16x2x128x128xf32, #tpu.memory_space<vmem_shared>> -> memref<1x1x128x128xf32, #tpu.memory_space<vmem_shared>>
      %dma_wait3A_545 = tpu.memref_squeeze %dma_wait3A_544 : memref<1x1x128x128xf32, #tpu.memory_space<vmem_shared>> -> memref<128x128xf32, #tpu.memory_space<vmem_shared>>
      %dma_wait3A_546 = arith.constant 0 : i32
      %dma_wait3A_547 = arith.constant 0 : i32
      %dma_wait3A_548 = tpu.memref_slice %arg6[%dma_wait3A_532, %dma_wait3A_546, %dma_wait3A_547] : memref<4x128x128xf32, #tpu.memory_space<vmem>> -> memref<1x128x128xf32, #tpu.memory_space<vmem>>
      %dma_wait3A_549 = tpu.memref_squeeze %dma_wait3A_548 : memref<1x128x128xf32, #tpu.memory_space<vmem>> -> memref<128x128xf32, #tpu.memory_space<vmem>>
      tpu.wait_dma2 semaphore(%arg12 : memref<!tpu.dma_semaphore, #tpu.memory_space<semaphore_mem>>) src(%dma_wait3A_549 : memref<128x128xf32, #tpu.memory_space<vmem>>) dst(%dma_wait3A_545 : memref<128x128xf32, #tpu.memory_space<vmem_shared>>)
      %mul3A_550 = arith.constant 128 : i32
      %mul3A_551 = arith.muli %add3A_490, %mul3A_550 : i32
      %add3A_552 = arith.addi %mul3A_2, %mul3A_551 : i32
      %dma_start3A_553 = arith.constant 0 : i32
      %dma_start3A_554 = arith.constant 0 : i32
      %dma_start3A_555 = tpu.memref_slice %arg4[%add3A_552, %dma_start3A_554] : memref<819200x128xf32, #tpu.memory_space<hbm>> -> memref<128x128xf32, #tpu.memory_space<hbm>>
      %dma_start3A_556 = arith.constant 0 : i32
      %dma_start3A_557 = arith.constant 0 : i32
      %dma_start3A_558 = tpu.memref_slice %arg7[%arg1, %dma_start3A_553, %dma_start3A_556, %dma_start3A_557] : memref<16x2x128x128xf32, #tpu.memory_space<vmem_shared>> -> memref<1x1x128x128xf32, #tpu.memory_space<vmem_shared>>
      %dma_start3A_559 = tpu.memref_squeeze %dma_start3A_558 : memref<1x1x128x128xf32, #tpu.memory_space<vmem_shared>> -> memref<128x128xf32, #tpu.memory_space<vmem_shared>>
      tpu.enqueue_dma source(%dma_start3A_559 : memref<128x128xf32, #tpu.memory_space<vmem_shared>>) target(%dma_start3A_555 : memref<128x128xf32, #tpu.memory_space<hbm>>) target_semaphore(%arg14 : memref<!tpu.dma_semaphore, #tpu.memory_space<semaphore_mem>>)
      %add3A_560 = arith.constant 4 : i32
      %add3A_561 = arith.addi %add3A_490, %add3A_560 : i32
      %lt3A_562 = arith.constant 200 : i32
      %lt3A_563 = arith.cmpi slt, %add3A_561, %lt3A_562 : i32
      %convert_element_type3A_564 = arith.extui %lt3A_563 : i1 to i32
      %cond3A_565 = arith.constant 0 : i32
      %cond3A_566 = arith.cmpi ne, %convert_element_type3A_564, %cond3A_565 : i32
      scf.if %cond3A_566 {
        %add3A_647 = arith.constant 4 : i32
        %add3A_648 = arith.addi %add3A_490, %add3A_647 : i32
        %mul3A_649 = arith.constant 128 : i32
        %mul3A_650 = arith.muli %add3A_648, %mul3A_649 : i32
        %dma_start3A_651 = arith.constant 2 : i32
        %dma_start3A_652 = arith.constant 0 : i32
        %dma_start3A_653 = arith.constant 0 : i32
        %dma_start3A_654 = tpu.memref_slice %arg6[%dma_start3A_651, %dma_start3A_652, %dma_start3A_653] : memref<4x128x128xf32, #tpu.memory_space<vmem>> -> memref<1x128x128xf32, #tpu.memory_space<vmem>>
        %dma_start3A_655 = tpu.memref_squeeze %dma_start3A_654 : memref<1x128x128xf32, #tpu.memory_space<vmem>> -> memref<128x128xf32, #tpu.memory_space<vmem>>
        %dma_start3A_656 = tpu.memref_slice %arg5[%mul3A_650] : memref<25600xi32, #tpu.memory_space<vmem>> -> memref<128xi32, #tpu.memory_space<vmem>>
        %dma_start3A_657 = arith.constant 0 : i32
        %dma_start3A_658 = arith.constant 0 : i32
        %dma_start3A_659 = tpu.memref_slice %arg2[%dma_start3A_657, %dma_start3A_658] : memref<101000x128xf32, #tpu.memory_space<hbm>> -> memref<101000x128xf32, #tpu.memory_space<hbm>>
        tpu.enqueue_indirect_dma source(%dma_start3A_659 : memref<101000x128xf32, #tpu.memory_space<hbm>>) target(%dma_start3A_655 : memref<128x128xf32, #tpu.memory_space<vmem>>) offsets(%dma_start3A_656 : memref<128xi32, #tpu.memory_space<vmem>>) semaphore(%arg10 : memref<!tpu.dma_semaphore, #tpu.memory_space<semaphore_mem>>)
      } else {
      }
      %mul3A_567 = arith.constant 8 : i32
      %mul3A_568 = arith.muli %mul3A_567, %scan3A_62 : i32
      %add3A_569 = arith.constant 7 : i32
      %add3A_570 = arith.addi %mul3A_568, %add3A_569 : i32
      %dma_wait3A_571 = arith.constant 3 : i32
      %dma_wait3A_572 = arith.constant 0 : i32
      %dma_wait3A_573 = arith.constant 0 : i32
      %dma_wait3A_574 = tpu.memref_slice %arg6[%dma_wait3A_571, %dma_wait3A_572, %dma_wait3A_573] : memref<4x128x128xf32, #tpu.memory_space<vmem>> -> memref<1x128x128xf32, #tpu.memory_space<vmem>>
      %dma_wait3A_575 = tpu.memref_squeeze %dma_wait3A_574 : memref<1x128x128xf32, #tpu.memory_space<vmem>> -> memref<128x128xf32, #tpu.memory_space<vmem>>
      %dma_wait3A_576 = arith.constant 0 : i32
      %dma_wait3A_577 = arith.constant 0 : i32
      %dma_wait3A_578 = tpu.memref_slice %arg2[%dma_wait3A_576, %dma_wait3A_577] : memref<101000x128xf32, #tpu.memory_space<hbm>> -> memref<128x128xf32, #tpu.memory_space<hbm>>
      %dma_wait3A_579 = arith.constant 0 : i32
      %dma_wait3A_580 = arith.constant 0 : i32
      %dma_wait3A_581 = tpu.memref_slice %arg6[%dma_wait3A_571, %dma_wait3A_579, %dma_wait3A_580] : memref<4x128x128xf32, #tpu.memory_space<vmem>> -> memref<1x128x128xf32, #tpu.memory_space<vmem>>
      %dma_wait3A_582 = tpu.memref_squeeze %dma_wait3A_581 : memref<1x128x128xf32, #tpu.memory_space<vmem>> -> memref<128x128xf32, #tpu.memory_space<vmem>>
      %dma_wait3A_583 = arith.constant 0 : i32
      %dma_wait3A_584 = arith.constant 0 : i32
      %dma_wait3A_585 = tpu.memref_slice %arg2[%dma_wait3A_583, %dma_wait3A_584] : memref<101000x128xf32, #tpu.memory_space<hbm>> -> memref<128x128xf32, #tpu.memory_space<hbm>>
      tpu.wait_dma2 semaphore(%arg11 : memref<!tpu.dma_semaphore, #tpu.memory_space<semaphore_mem>>) src(%dma_wait3A_585 : memref<128x128xf32, #tpu.memory_space<hbm>>) dst(%dma_wait3A_582 : memref<128x128xf32, #tpu.memory_space<vmem>>)
      %dma_wait3A_586 = arith.constant 1 : i32
      %dma_wait3A_587 = arith.constant 0 : i32
      %dma_wait3A_588 = arith.constant 0 : i32
      %dma_wait3A_589 = tpu.memref_slice %arg4[%dma_wait3A_587, %dma_wait3A_588] : memref<819200x128xf32, #tpu.memory_space<hbm>> -> memref<128x128xf32, #tpu.memory_space<hbm>>
      %dma_wait3A_590 = arith.constant 0 : i32
      %dma_wait3A_591 = arith.constant 0 : i32
      %dma_wait3A_592 = tpu.memref_slice %arg7[%arg1, %dma_wait3A_586, %dma_wait3A_590, %dma_wait3A_591] : memref<16x2x128x128xf32, #tpu.memory_space<vmem_shared>> -> memref<1x1x128x128xf32, #tpu.memory_space<vmem_shared>>
      %dma_wait3A_593 = tpu.memref_squeeze %dma_wait3A_592 : memref<1x1x128x128xf32, #tpu.memory_space<vmem_shared>> -> memref<128x128xf32, #tpu.memory_space<vmem_shared>>
      tpu.wait_dma2 semaphore(%arg15 : memref<!tpu.dma_semaphore, #tpu.memory_space<semaphore_mem>>) src(%dma_wait3A_593 : memref<128x128xf32, #tpu.memory_space<vmem_shared>>) dst(%dma_wait3A_589 : memref<128x128xf32, #tpu.memory_space<hbm>>)
      %dma_start3A_594 = arith.constant 3 : i32
      %dma_start3A_595 = arith.constant 1 : i32
      %dma_start3A_596 = arith.constant 0 : i32
      %dma_start3A_597 = arith.constant 0 : i32
      %dma_start3A_598 = tpu.memref_slice %arg6[%dma_start3A_594, %dma_start3A_596, %dma_start3A_597] : memref<4x128x128xf32, #tpu.memory_space<vmem>> -> memref<1x128x128xf32, #tpu.memory_space<vmem>>
      %dma_start3A_599 = tpu.memref_squeeze %dma_start3A_598 : memref<1x128x128xf32, #tpu.memory_space<vmem>> -> memref<128x128xf32, #tpu.memory_space<vmem>>
      %dma_start3A_600 = arith.constant 0 : i32
      %dma_start3A_601 = arith.constant 0 : i32
      %dma_start3A_602 = tpu.memref_slice %arg7[%arg1, %dma_start3A_595, %dma_start3A_600, %dma_start3A_601] : memref<16x2x128x128xf32, #tpu.memory_space<vmem_shared>> -> memref<1x1x128x128xf32, #tpu.memory_space<vmem_shared>>
      %dma_start3A_603 = tpu.memref_squeeze %dma_start3A_602 : memref<1x1x128x128xf32, #tpu.memory_space<vmem_shared>> -> memref<128x128xf32, #tpu.memory_space<vmem_shared>>
      %dma_start3A_604 = arith.constant 0 : i32
      %dma_start3A_605 = arith.constant 0 : i32
      %dma_start3A_606 = tpu.memref_slice %arg7[%arg1, %dma_start3A_595, %dma_start3A_604, %dma_start3A_605] : memref<16x2x128x128xf32, #tpu.memory_space<vmem_shared>> -> memref<1x1x128x128xf32, #tpu.memory_space<vmem_shared>>
      %dma_start3A_607 = tpu.memref_squeeze %dma_start3A_606 : memref<1x1x128x128xf32, #tpu.memory_space<vmem_shared>> -> memref<128x128xf32, #tpu.memory_space<vmem_shared>>
      %dma_start3A_608 = arith.constant 0 : i32
      %dma_start3A_609 = arith.constant 0 : i32
      %dma_start3A_610 = tpu.memref_slice %arg6[%dma_start3A_594, %dma_start3A_608, %dma_start3A_609] : memref<4x128x128xf32, #tpu.memory_space<vmem>> -> memref<1x128x128xf32, #tpu.memory_space<vmem>>
      %dma_start3A_611 = tpu.memref_squeeze %dma_start3A_610 : memref<1x128x128xf32, #tpu.memory_space<vmem>> -> memref<128x128xf32, #tpu.memory_space<vmem>>
      tpu.enqueue_dma source(%dma_start3A_611 : memref<128x128xf32, #tpu.memory_space<vmem>>) target(%dma_start3A_607 : memref<128x128xf32, #tpu.memory_space<vmem_shared>>) target_semaphore(%arg12 : memref<!tpu.dma_semaphore, #tpu.memory_space<semaphore_mem>>)
      %dma_wait3A_612 = arith.constant 3 : i32
      %dma_wait3A_613 = arith.constant 1 : i32
      %dma_wait3A_614 = arith.constant 0 : i32
      %dma_wait3A_615 = arith.constant 0 : i32
      %dma_wait3A_616 = tpu.memref_slice %arg6[%dma_wait3A_612, %dma_wait3A_614, %dma_wait3A_615] : memref<4x128x128xf32, #tpu.memory_space<vmem>> -> memref<1x128x128xf32, #tpu.memory_space<vmem>>
      %dma_wait3A_617 = tpu.memref_squeeze %dma_wait3A_616 : memref<1x128x128xf32, #tpu.memory_space<vmem>> -> memref<128x128xf32, #tpu.memory_space<vmem>>
      %dma_wait3A_618 = arith.constant 0 : i32
      %dma_wait3A_619 = arith.constant 0 : i32
      %dma_wait3A_620 = tpu.memref_slice %arg7[%arg1, %dma_wait3A_613, %dma_wait3A_618, %dma_wait3A_619] : memref<16x2x128x128xf32, #tpu.memory_space<vmem_shared>> -> memref<1x1x128x128xf32, #tpu.memory_space<vmem_shared>>
      %dma_wait3A_621 = tpu.memref_squeeze %dma_wait3A_620 : memref<1x1x128x128xf32, #tpu.memory_space<vmem_shared>> -> memref<128x128xf32, #tpu.memory_space<vmem_shared>>
      %dma_wait3A_622 = arith.constant 0 : i32
      %dma_wait3A_623 = arith.constant 0 : i32
      %dma_wait3A_624 = tpu.memref_slice %arg7[%arg1, %dma_wait3A_613, %dma_wait3A_622, %dma_wait3A_623] : memref<16x2x128x128xf32, #tpu.memory_space<vmem_shared>> -> memref<1x1x128x128xf32, #tpu.memory_space<vmem_shared>>
      %dma_wait3A_625 = tpu.memref_squeeze %dma_wait3A_624 : memref<1x1x128x128xf32, #tpu.memory_space<vmem_shared>> -> memref<128x128xf32, #tpu.memory_space<vmem_shared>>
      %dma_wait3A_626 = arith.constant 0 : i32
      %dma_wait3A_627 = arith.constant 0 : i32
      %dma_wait3A_628 = tpu.memref_slice %arg6[%dma_wait3A_612, %dma_wait3A_626, %dma_wait3A_627] : memref<4x128x128xf32, #tpu.memory_space<vmem>> -> memref<1x128x128xf32, #tpu.memory_space<vmem>>
      %dma_wait3A_629 = tpu.memref_squeeze %dma_wait3A_628 : memref<1x128x128xf32, #tpu.memory_space<vmem>> -> memref<128x128xf32, #tpu.memory_space<vmem>>
      tpu.wait_dma2 semaphore(%arg12 : memref<!tpu.dma_semaphore, #tpu.memory_space<semaphore_mem>>) src(%dma_wait3A_629 : memref<128x128xf32, #tpu.memory_space<vmem>>) dst(%dma_wait3A_625 : memref<128x128xf32, #tpu.memory_space<vmem_shared>>)
      %mul3A_630 = arith.constant 128 : i32
      %mul3A_631 = arith.muli %add3A_570, %mul3A_630 : i32
      %add3A_632 = arith.addi %mul3A_2, %mul3A_631 : i32
      %dma_start3A_633 = arith.constant 1 : i32
      %dma_start3A_634 = arith.constant 0 : i32
      %dma_start3A_635 = tpu.memref_slice %arg4[%add3A_632, %dma_start3A_634] : memref<819200x128xf32, #tpu.memory_space<hbm>> -> memref<128x128xf32, #tpu.memory_space<hbm>>
      %dma_start3A_636 = arith.constant 0 : i32
      %dma_start3A_637 = arith.constant 0 : i32
      %dma_start3A_638 = tpu.memref_slice %arg7[%arg1, %dma_start3A_633, %dma_start3A_636, %dma_start3A_637] : memref<16x2x128x128xf32, #tpu.memory_space<vmem_shared>> -> memref<1x1x128x128xf32, #tpu.memory_space<vmem_shared>>
      %dma_start3A_639 = tpu.memref_squeeze %dma_start3A_638 : memref<1x1x128x128xf32, #tpu.memory_space<vmem_shared>> -> memref<128x128xf32, #tpu.memory_space<vmem_shared>>
      tpu.enqueue_dma source(%dma_start3A_639 : memref<128x128xf32, #tpu.memory_space<vmem_shared>>) target(%dma_start3A_635 : memref<128x128xf32, #tpu.memory_space<hbm>>) target_semaphore(%arg15 : memref<!tpu.dma_semaphore, #tpu.memory_space<semaphore_mem>>)
      %add3A_640 = arith.constant 4 : i32
      %add3A_641 = arith.addi %add3A_570, %add3A_640 : i32
      %lt3A_642 = arith.constant 200 : i32
      %lt3A_643 = arith.cmpi slt, %add3A_641, %lt3A_642 : i32
      %convert_element_type3A_644 = arith.extui %lt3A_643 : i1 to i32
      %cond3A_645 = arith.constant 0 : i32
      %cond3A_646 = arith.cmpi ne, %convert_element_type3A_644, %cond3A_645 : i32
      scf.if %cond3A_646 {
        %add3A_647 = arith.constant 4 : i32
        %add3A_648 = arith.addi %add3A_570, %add3A_647 : i32
        %mul3A_649 = arith.constant 128 : i32
        %mul3A_650 = arith.muli %add3A_648, %mul3A_649 : i32
        %dma_start3A_651 = arith.constant 3 : i32
        %dma_start3A_652 = arith.constant 0 : i32
        %dma_start3A_653 = arith.constant 0 : i32
        %dma_start3A_654 = tpu.memref_slice %arg6[%dma_start3A_651, %dma_start3A_652, %dma_start3A_653] : memref<4x128x128xf32, #tpu.memory_space<vmem>> -> memref<1x128x128xf32, #tpu.memory_space<vmem>>
        %dma_start3A_655 = tpu.memref_squeeze %dma_start3A_654 : memref<1x128x128xf32, #tpu.memory_space<vmem>> -> memref<128x128xf32, #tpu.memory_space<vmem>>
        %dma_start3A_656 = tpu.memref_slice %arg5[%mul3A_650] : memref<25600xi32, #tpu.memory_space<vmem>> -> memref<128xi32, #tpu.memory_space<vmem>>
        %dma_start3A_657 = arith.constant 0 : i32
        %dma_start3A_658 = arith.constant 0 : i32
        %dma_start3A_659 = tpu.memref_slice %arg2[%dma_start3A_657, %dma_start3A_658] : memref<101000x128xf32, #tpu.memory_space<hbm>> -> memref<101000x128xf32, #tpu.memory_space<hbm>>
        tpu.enqueue_indirect_dma source(%dma_start3A_659 : memref<101000x128xf32, #tpu.memory_space<hbm>>) target(%dma_start3A_655 : memref<128x128xf32, #tpu.memory_space<vmem>>) offsets(%dma_start3A_656 : memref<128xi32, #tpu.memory_space<vmem>>) semaphore(%arg11 : memref<!tpu.dma_semaphore, #tpu.memory_space<semaphore_mem>>)
      } else {
      }
    }
    %scan3A_46 = arith.constant 25 : i32
    %dma_wait3A = arith.constant 0 : i32
    %dma_wait3A_47 = arith.constant 0 : i32
    %dma_wait3A_48 = arith.constant 0 : i32
    %dma_wait3A_49 = tpu.memref_slice %arg4[%dma_wait3A_47, %dma_wait3A_48] : memref<819200x128xf32, #tpu.memory_space<hbm>> -> memref<128x128xf32, #tpu.memory_space<hbm>>
    %dma_wait3A_50 = arith.constant 0 : i32
    %dma_wait3A_51 = arith.constant 0 : i32
    %dma_wait3A_52 = tpu.memref_slice %arg7[%arg1, %dma_wait3A, %dma_wait3A_50, %dma_wait3A_51] : memref<16x2x128x128xf32, #tpu.memory_space<vmem_shared>> -> memref<1x1x128x128xf32, #tpu.memory_space<vmem_shared>>
    %dma_wait3A_53 = tpu.memref_squeeze %dma_wait3A_52 : memref<1x1x128x128xf32, #tpu.memory_space<vmem_shared>> -> memref<128x128xf32, #tpu.memory_space<vmem_shared>>
    tpu.wait_dma2 semaphore(%arg14 : memref<!tpu.dma_semaphore, #tpu.memory_space<semaphore_mem>>) src(%dma_wait3A_53 : memref<128x128xf32, #tpu.memory_space<vmem_shared>>) dst(%dma_wait3A_49 : memref<128x128xf32, #tpu.memory_space<hbm>>)
    %dma_wait3A_54 = arith.constant 1 : i32
    %dma_wait3A_55 = arith.constant 0 : i32
    %dma_wait3A_56 = arith.constant 0 : i32
    %dma_wait3A_57 = tpu.memref_slice %arg4[%dma_wait3A_55, %dma_wait3A_56] : memref<819200x128xf32, #tpu.memory_space<hbm>> -> memref<128x128xf32, #tpu.memory_space<hbm>>
    %dma_wait3A_58 = arith.constant 0 : i32
    %dma_wait3A_59 = arith.constant 0 : i32
    %dma_wait3A_60 = tpu.memref_slice %arg7[%arg1, %dma_wait3A_54, %dma_wait3A_58, %dma_wait3A_59] : memref<16x2x128x128xf32, #tpu.memory_space<vmem_shared>> -> memref<1x1x128x128xf32, #tpu.memory_space<vmem_shared>>
    %dma_wait3A_61 = tpu.memref_squeeze %dma_wait3A_60 : memref<1x1x128x128xf32, #tpu.memory_space<vmem_shared>> -> memref<128x128xf32, #tpu.memory_space<vmem_shared>>
    tpu.wait_dma2 semaphore(%arg15 : memref<!tpu.dma_semaphore, #tpu.memory_space<semaphore_mem>>) src(%dma_wait3A_61 : memref<128x128xf32, #tpu.memory_space<vmem_shared>>) dst(%dma_wait3A_57 : memref<128x128xf32, #tpu.memory_space<hbm>>)
    return
  }
}

</mosaic_0001>

<sc_bundles>
// kernel: kernel.3.cloned.1.call-start
scs
__scs_entry_jumppad:
0x0: {  	(pc) =	sbr.rel $0x88, $3  }
0x1: {  	(tag) =	ssettag $0x0;
	lr =	simm.s32 $0x1  }
0x2: {  	[smem:$0x3F9E] =	sst lr;
	_ =	strace $0xD0000000  }
0x3: {  	_ = 	snop  }
0x4: {  	_ = 	snop  }
0x5: {  	_ = 	snop  }
0x6: {  	_ = 	snop  }
0x7: {  	_ = 	snop  }
__scs_overlays_trampoline_lowered:
0x8: {  	[smem:$0x3FAD] =	sst s0  }
0x9: {  	[smem:$0x3FAE] =	sst s1  }
0xa: {  	[smem:$0x3FAF] =	sst s2  }
0xb: {  	[smem:$0x3FB0] =	sst s3  }
0xc: {  	[smem:$0x3FB1] =	sst s4  }
0xd: {  	[smem:$0x3FB2] =	sst s5  }
0xe: {  	[smem:$0x3FB3] =	sst s6  }
0xf: {  	[smem:$0x3FB4] =	sst s7  }
0x10: {  	[smem:$0x3FB5] =	sst s8  }
0x11: {  	[smem:$0x3FB6] =	sst s9;
	s0 =	simm.s32 @!p0 $0x0  }
0x12: {  	s1 =	sld [smem:$0x3F9C];
	s0 =	simm.s32 @p0 $0x1  }
0x13: {  	[smem:$0x3FB7] =	sst s0;
	s0 =	simm.s32 @!p1 $0x0  }
0x14: {  	s2 =	sld [smem:$0x3F9B];
	s0 =	simm.s32 @p1 $0x1  }
0x15: {  	[smem:$0x3FB8] =	sst s0;
	s0 =	simm.s32 @!p2 $0x0  }
0x16: {  	s3 =	sld [smem:$0x3FDB];
	s0 =	simm.s32 @p2 $0x1  }
0x17: {  	s4 =	simm.s32 $0x1BF5;
	[smem:$0x3FBA] =	sst s0  }
0x18: {  	s0 =	sld [smem:$0x3F9D];
	_ =	swait.ge [sflag:s4], $0x0  }
0x19: {  	s7 =	sld [smem:$0x3F9E]  }
0x1a: {  	s8 =	sadd.s32 $0xFFFFE003, lr  }
0x1b: {  	s9 =	sadd.s32 $0xFFFFFEF7, lr;
	s5 =	simm.s32 $0xFFFFFFFF;
	p2 =	slt.u32 s8, $0xFFFFF086  }
0x1c: {  	p1 =	slt.u32 s9, $0xF7A;
	s5 =	simm.s32 @!p2 $0x0  }
0x1d: {  	s5 =	simm.s32 @p1 $0x1;
	p0 =	seq.s32 s7, s2  }
0x1e: {  	s7 =	smul.u32 @!p0 $0xF7A, s2;
	p2 =	seq.s32 @!p0 s5, $0x0  }
0x1f: {  	s9 =	smul.u32 $0xF7A, s1;
	s8 =	simm.s32 @!p0 $0x1BF5;
	p2 =	por !p2, p0  }
0x20: {  	[sflag:s8] =	ssyncset.s32 @!p0 $0xFFFFF086;
	s6 =	sadd.s32 @!p0 s3, s7;
	s7 =	simm.s32 @!p0 $0x108  }
0x21: {  	s3 =	sadd.s32 s3, s9;
	s6 =	sadd.s32 @!p0 $0x88, s6;
	s7 =	simm.s32 @p2 $0x1082  }
0x22: {  	[simem:s7], [sflag:s8] =	dma.local @!p0 [hbm:s6], $0xF7A  }
0x23: {  	s9 =	sor.u32 $0xD0000000, s2;
	s6 =	simm.s32 $0x108;
	_ =	swait.ge @!p0 [sflag:s8], $0x0  }
0x24: {  	s3 =	sadd.s32 $0x88, s3;
	s6 =	simm.s32 @!p1 $0x1082;
	[sflag:s4] =	ssyncset.s32 $0xFFFFF086  }
0x25: {  	[simem:s6], [sflag:s4] =	dma.local [hbm:s3], $0xF7A  }
0x26: {  	[smem:$0x3F9E] =	sst s1;
	(tag) =	ssettag s2;
	_ =	strace s9  }
0x27: {  	s1 =	sld [smem:$0x3FAE]  }
0x28: {  	s2 =	sld [smem:$0x3FAF]  }
0x29: {  	s4 =	sld [smem:$0x3FB1]  }
0x2a: {  	p0 =	seq.s32 s5, $0x0;
	s5 =	sld [smem:$0x3FB2]  }
0x2b: {  	s6 =	sld [smem:$0x3FB3]  }
0x2c: {  	s7 =	sld [smem:$0x3FB4]  }
0x2d: {  	s3 =	simm.s32 $0x108;
	s8 =	sld [smem:$0x3FB5]  }
0x2e: {  	s3 =	simm.s32 @!p0 $0x1082;
	s9 =	sld [smem:$0x3FB6]  }
0x2f: {  	lr =	sadd.s32 s0, s3;
	s0 =	sld [smem:$0x3FAD]  }
0x30: {  	s3 =	sld [smem:$0x3FB0]  }
0x31: {  	[smem:$0x3FB9] =	sst s10  }
0x32: {  	s10 =	sld [smem:$0x3FB7];
	_ =	sdelay $0x3  }
0x33: {  	p0 =	seq.s32 s10, $0x1;
	s10 =	sld [smem:$0x3FB9];
	_ =	sdelay $0x3  }
0x34: {  	[smem:$0x3FB9] =	sst s10  }
0x35: {  	s10 =	sld [smem:$0x3FB8];
	_ =	sdelay $0x3  }
0x36: {  	p1 =	seq.s32 s10, $0x1;
	s10 =	sld [smem:$0x3FB9];
	_ =	sdelay $0x3  }
0x37: {  	[smem:$0x3FB9] =	sst s10  }
0x38: {  	s10 =	sld [smem:$0x3FBA]  }
0x39: {  	_ = 	snop;
	(pc) =	sbr.ind lr, $3  }
0x3a: {  	_ = 	snop  }
0x3b: {  	_ = 	snop  }
0x3c: {  	p2 =	seq.s32 s10, $0x1;
	s10 =	sld [smem:$0x3FB9]  }
0x3d: {  	_ =	shalt  }
0x3e: {  	_ =	shalt  }
0x3f: {  	_ =	shalt  }
0x40: {  	_ =	shalt  }
0x41: {  	_ =	shalt  }
0x42: {  	_ =	shalt  }
0x43: {  	_ =	shalt  }
0x44: {  	_ =	shalt  }
0x45: {  	_ =	shalt  }
0x46: {  	_ =	shalt  }
0x47: {  	_ =	shalt  }
0x48: {  	_ =	shalt  }
0x49: {  	_ =	shalt  }
0x4a: {  	_ =	shalt  }
0x4b: {  	_ =	shalt  }
0x4c: {  	_ =	shalt  }
0x4d: {  	_ =	shalt  }
0x4e: {  	_ =	shalt  }
0x4f: {  	_ =	shalt  }
0x50: {  	_ =	shalt  }
0x51: {  	_ =	shalt  }
0x52: {  	_ =	shalt  }
0x53: {  	_ =	shalt  }
0x54: {  	_ =	shalt  }
0x55: {  	_ =	shalt  }
0x56: {  	_ =	shalt  }
0x57: {  	_ =	shalt  }
0x58: {  	_ =	shalt  }
0x59: {  	_ =	shalt  }
0x5a: {  	_ =	shalt  }
0x5b: {  	_ =	shalt  }
0x5c: {  	_ =	shalt  }
0x5d: {  	_ =	shalt  }
0x5e: {  	_ =	shalt  }
0x5f: {  	_ =	shalt  }
0x60: {  	_ =	shalt  }
0x61: {  	_ =	shalt  }
0x62: {  	_ =	shalt  }
0x63: {  	_ =	shalt  }
0x64: {  	_ =	shalt  }
0x65: {  	_ =	shalt  }
0x66: {  	_ =	shalt  }
0x67: {  	_ =	shalt  }
0x68: {  	_ =	shalt  }
0x69: {  	_ =	shalt  }
0x6a: {  	_ =	shalt  }
0x6b: {  	_ =	shalt  }
0x6c: {  	_ =	shalt  }
0x6d: {  	_ =	shalt  }
0x6e: {  	_ =	shalt  }
0x6f: {  	_ =	shalt  }
0x70: {  	_ =	shalt  }
0x71: {  	_ =	shalt  }
0x72: {  	_ =	shalt  }
0x73: {  	_ =	shalt  }
0x74: {  	_ =	shalt  }
0x75: {  	_ =	shalt  }
0x76: {  	_ =	shalt  }
0x77: {  	_ =	shalt  }
0x78: {  	_ =	shalt  }
0x79: {  	_ =	shalt  }
0x7a: {  	_ =	shalt  }
0x7b: {  	_ =	shalt  }
0x7c: {  	_ =	shalt  }
0x7d: {  	_ =	shalt  }
0x7e: {  	_ =	shalt  }
0x7f: {  	_ =	shalt  }
0x80: {  	_ =	shalt  }
0x81: {  	_ =	shalt  }
0x82: {  	_ =	shalt  }
0x83: {  	_ =	shalt  }
0x84: {  	_ =	shalt  }
0x85: {  	_ =	shalt  }
0x86: {  	_ =	shalt  }
0x87: {  	_ =	shalt  }
.Lfunc_end0:
.L_simem_size_0:
called_computation_lowered:
.L_overlay_start_0:
0x88: {  	s2 =	sld [smem:$0x3FD9]  }
0x89: {  	s3 =	sld [smem:$0x3FFE];
	_ =	sdelay $0x1  }
0x8a: {  	s1 =	srdreg.scid  }
0x8b: {  	s0 =	sand.u32 $0x1, s1  }
0x8c: {  	s17 =	sshll.u32 s0, $0xA;
	s2 =	sadd.s32 s3, s2  }
0x8d: {  	s2 =	sadd.s32 s2, s17  }
0x8e: {  	[smem:$0x3FC5] =	sst s2  }
0x8f: {  	_ = 	snop  }
0x90: {  	s2 =	sld [smem:$0x3FD0];
	(tm) =	ssettm $0x1  }
0x91: {  	s18 =	sld [smem:$0x3FFB];
	_ =	sdelay $0x3  }
0x92: {  	_ =	strace s18  }
0x93: {  	s3 =	sld [smem:$0x3FFC];
	_ =	sdelay $0x3  }
0x94: {  	_ =	strace s3  }
0x95: {  	s3 =	sld [smem:$0x3FFD];
	_ =	sdelay $0x3  }
0x96: {  	_ =	strace s3  }
0x97: {  	_ =	strace $0x8FFFFFFF  }
0x98: {  	s19 =	sld [smem:$0x3FDB];
	_ =	sdelay $0x1  }
0x99: {  	s4 =	simm.s32 $_scs_section_size  }
0x9a: {  	s5 =	simm.s32 $_size__tile_overlayer_lowered;
	s6 =	simm.s32 $_tile_overlayer_lowered  }
0x9b: {  	s22 =	simm.s32 $0x1BFF;
	s21 =	sshll.u32 s6, $0x1;
	s3 =	sadd.s32 s4, s19  }
0x9c: {  	s7 =	simm.s32 $0x0;
	s20 =	sshll.u32 s5, $0x1;
	s5 =	sadd.s32 s21, s3  }
0x9d: {  	[timem:s7], [sflag:s22] =	dma.local [hbm:s5], s20  }
0x9e: {  	_ =	swait.ge [sflag:s22], s20  }
0x9f: {  	s4 =	ssub.s32 $0x0, s20;
	[sflag:s22] =	ssyncset.done $0x0  }
0xa0: {  	[sflag:s22] =	ssyncadd.s32 s4;
	_ =	sdelay $0x1  }
0xa1: {  	s23 =	simm.s32 $0x1B8B  }
0xa2: {  	_ =	swait.ge [sflag:s23], $0x1  }
0xa3: {  	[sflag:s23] =	ssyncset.done $0x0  }
0xa4: {  	s25 =	simm.s32 $0x1B8E;
	s24 =	sld [smem:$0x3FFE];
	[sflag:s23] =	ssyncadd.s32 $0xFFFFFFFF  }
0xa5: {  	s26 =	simm.s32 $execute0_lowered;
	[smem:$0x3FD2] =	sst s25  }
0xa6: {  	s5 =	sshll.u32 s26, $0x1;
	_ =	strace $0x80000046;
	[dreg:$0x1] =	wrdreg $0xFFFFFFFF  }
0xa7: {  	s28 =	simm.s32 $_size_execute0_lowered;
	s3 =	sadd.s32 s3, s5;
	[dreg:$0x0] =	wrdreg $0x0  }
0xa8: {  	s5 =	sshll.u32 s28, $0x1;
	[dreg:$0x2] =	wrdreg s3  }
0xa9: {  	[dreg:$0x3] =	wrdreg s5  }
0xaa: {  	[dreg:$0x4] =	wrdreg $0xC0  }
0xab: {  	_ =	task [dreg:s7], $0x5FFFF  }
0xac: {  	[dreg:$0x1] =	wrdreg $0xFFFFFFFF  }
0xad: {  	[dreg:$0x0] =	wrdreg $0x60  }
0xae: {  	[dreg:$0x2] =	wrdreg s24  }
0xaf: {  	[dreg:$0x3] =	wrdreg s2  }
0xb0: {  	[dreg:$0x4] =	wrdreg $0x164000  }
0xb1: {  	[dreg:$0x5] =	wrdreg $0x9  }
0xb2: {  	_ =	task.clear_ibuf [dreg:s7], $0x6FFFF;
	_ =	strace $0x90000046  }
0xb3: {  	s29 =	simm.s32 $0x9;
	_ =	strace $0x80000048  }
0xb4: {  	_ =	swait.ge [sflag:s29], $0x1  }
0xb5: {  	[sflag:s29] =	ssyncadd.s32 $0xFFFFFFFF  }
0xb6: {  	_ =	strace $0x90000048  }
0xb7: {  	_ =	sfence  }
0xb8: {  	s30 =	sld [smem:$0x0];
	_ =	sdelay $0x2  }
0xb9: {  	s31 =	sshll.u32 s1, $0xD;
	s1 =	sshrl.u32 s1, $0x2  }
0xba: {  	s3 =	sand.u32 $0x4000, s31;
	s1 =	sadd.s32 s1, s30  }
0xbb: {  	s0 =	sor.u32 s3, s0;
	s1 =	sshll.u32 s1, $0x11  }
0xbc: {  	s0 =	sor.u32 s1, s0  }
0xbd: {  	s0 =	sadd.s32 $0x8F2B, s0  }
0xbe: {  	[sflag:s0] =	ssyncadd.remote.s32 $0x1  }
0xbf: {  	_ =	sfence.sel $0xFFFF  }
0xc0: {  	[dreg:$0x0] =	wrdreg $0xFFFFFFFF;
	(pc) =	sbr.abs _section_cstart, $3  }
0xc1: {  	[dreg:$0x1] =	wrdreg $0xFFFFFFFF  }
0xc2: {  	_ =	task.clear_ibuf [dreg:s7], $0x2FFFF;
	_ =	strace $0x9FFFFFFF  }
0xc3: {  	(tm) =	ssettm $0x7FFFFFFF  }
tec
execute0_lowered:
.L_overlay_start_1:
0x0: {  	(tag) =	ssettag $0x1  }
0x1: {  	s1 =	rddreg [dreg:$0x0];
	s2 =	srdreg.scid  }
0x2: {  	s0 =	stileid.u32;
	s5 =	rddreg [dreg:$0x2];
	s3 =	simm.s32 $0x0  }
0x3: {  	s28 =	simm.s32 $0x3;
	s29 =	simm.s32 $0x4;
	s30 =	simm.s32 $0x7  }
0x4: {  	s31 =	simm.s32 $0x8;
	s2 =	sand.u32 $0x1, s2;
	s8 =	smul.u32 $0x640000, s0  }
0x5: {  	s4 =	sshll.u32 s0, $0x1;
	[smem:$0x7FF] =	sst s3;
	s11 =	smul.u32 $0xC8000, s0  }
0x6: {  	s16 =	sshll.u32 s0, $0xF;
	s4 =	sor.u32 s2, s4;
	s9 =	smul.u32 $0x320000, s2  }
0x7: {  	_ =	strace $0x80000047;
	s7 =	ssub.s32 $0x2, s2;
	s18 =	smul.u32 $0x64000, s2  }
0x8: {  	s6 =	smul.u32 $0x6400, s4;
	s4 =	sadd.s32 $0x19400, s1;
	s15 =	sshrl.u32 s7, $0x1  }
0x9: {  	s10 =	ssub.s32 s7, s15;
	s20 =	sadd.s32 s9, s8;
	s22 =	sadd.s32 s18, s11  }
0xa: {  	s18 =	simm.s32 $0xA400;
	s6 =	sshrl.u32 s6, $0x3;
	s19 =	smax.u32 s10, $0x1  }
0xb: {  	s21 =	sshrl.u32 s20, $0x3;
	[dreg:$0x7] =	wrdreg s22;
	s23 =	sor.u32 $0x1C000, s20  }
0xc: {  	s24 =	sor.u32 $0x18000, s20;
	s25 =	sor.u32 $0x14000, s20;
	s26 =	sor.u32 $0x10000, s20  }
0xd: {  	s20 =	simm.s32 $0xE400;
	s22 =	simm.s32 $0x12400;
	[dreg:$0x5] =	wrdreg s19  }
0xe: {  	s1 =	sadd.s32 s6, s1;
	s6 =	sadd.s32 s16, s5;
	[dreg:$0x6] =	wrdreg s21  }
.Ltmp0:
0xf: {  	s11 =	sshrl.u32 s23, $0x3;
	s12 =	sshrl.u32 s24, $0x3;
	(pc) =	sbr.rel .LBB2_1-.Ltmp0, $4  }
0x10: {  	s13 =	sshrl.u32 s25, $0x3;
	s14 =	sshrl.u32 s26, $0x3;
	s16 =	simm.s32 $0x80  }
0x11: {  	s23 =	simm.s32 $0x1;
	s24 =	simm.s32 $0x6;
	s25 =	simm.s32 $0x2  }
0x12: {  	s26 =	simm.s32 $0x5;
	s17 =	sadd.s32 $0x400, s1;
	s7 =	sadd.s32 $0x4000, s6  }
0x13: {  	s1 =	simm.s32 $0x0;
	[dreg:$0x4] =	wrdreg s17;
	s17 =	simm.s32 $0x6400  }
.LBB2_4:
0x14: {  	_ =	swait.ge [sflag:s30], $0x800  }
0x15: {  	[sflag:s30] =	ssyncset.done $0x0  }
0x16: {  	[sflag:s30] =	ssyncadd.s32 $0xFFFFF800  }
0x17: {  	_ =	swait.ge [sflag:s31], $0x800  }
0x18: {  	s1 =	rddreg [dreg:$0x8]  }
0x19: {  	s0 =	rddreg [dreg:$0x5];
	s1 =	sadd.s32 $0x1, s1  }
0x1a: {  	p0 =	sne.s32 s1, s0  }
.Ltmp1:
0x1b: {  	_ = 	snop;
	(pc) =	sbr.rel @!p0 .LBB2_5-.Ltmp1, $3  }
0x1c: {  	_ =	sdelay $0x1  }
0x1d: {  	[sflag:s31] =	ssyncset.done $0x0  }
0x1e: {  	[sflag:s31] =	ssyncadd.s32 $0xFFFFF800  }
.LBB2_1:
0x1f: {  	[dreg:$0x8] =	wrdreg s1  }
0x20: {  	s0 =	simm.s32 $0x0;
	s10 =	rddreg [dreg:$0x4];
	s15 =	simm.s32 $0x9  }
0x21: {  	[tilespmem:s0], [sflag:$0x9] =	stream.linear.gather [hbm4b:s10+s0], $0x6400, $0x38;
	[tilespmem:$0x1E400] =	vst v63  }
0x22: {  	_ =	swait.ge [sflag:s15], $0x6400  }
0x23: {  	[sflag:s15] =	ssyncset.done $0x0  }
0x24: {  	[sflag:s15] =	ssyncadd.s32 $0xFFFF9C00  }
0x25: {  	[tilespmem:s17], [sflag:$0x1] =	stream.indirect.gather [hbm4b:s4+s16], $0x80, s0, s16, $0xb8;
	[tilespmem:$0x1E400] =	vst v63  }
0x26: {  	_ = 	snop  }
0x27: {  	[tilespmem:s18], [sflag:$0x2] =	stream.indirect.gather [hbm4b:s4+s16], $0x80, s16, s16, $0xb8;
	[tilespmem:$0x1E400] =	vst v63  }
0x28: {  	s19 =	simm.s32 $0x100  }
0x29: {  	[tilespmem:s20], [sflag:$0x3] =	stream.indirect.gather [hbm4b:s4+s16], $0x80, s19, s16, $0xb8;
	[tilespmem:$0x1E400] =	vst v63  }
0x2a: {  	s21 =	simm.s32 $0x180;
	s2 =	rddreg [dreg:$0x1];
	s19 =	simm.s32 $0x0  }
0x2b: {  	[tilespmem:s22], [sflag:$0x4] =	stream.indirect.gather [hbm4b:s4+s16], $0x80, s21, s16, $0xb8;
	[tilespmem:$0x1E400] =	vst v63  }
.LBB2_2:
0x2c: {  	_ =	swait.ge [sflag:s23], $0x4000  }
0x2d: {  	[sflag:s23] =	ssyncset.done $0x0;
	s0 =	rddreg [dreg:$0x6]  }
0x2e: {  	s9 =	simm.s32 $0x0;
	[sflag:s23] =	ssyncadd.s32 $0xFFFFC000;
	s1 =	sadd.s32 s2, s0  }
0x2f: {  	[hbm4b:s1+s9] =	stream.linear.scatter [tilespmem:s17], [sflag:$0x6], $0x4000, $0x38;
	[tilespmem:$0x1E400] =	vst v63  }
0x30: {  	_ =	swait.ge [sflag:s24], $0x4000  }
0x31: {  	s21 =	sshra.s32 s19, $0x2;
	[sflag:s24] =	ssyncset.done $0x0  }
0x32: {  	s8 =	sadd.s32 $0x200, s21;
	[sflag:s24] =	ssyncadd.s32 $0xFFFFC000  }
0x33: {  	[tilespmem:s17], [sflag:$0x1] =	stream.indirect.gather [hbm4b:s4+s16], $0x80, s8, s16, $0xb8;
	[tilespmem:$0x1E400] =	vst v63  }
0x34: {  	_ =	swait.ge [sflag:s25], $0x4000  }
0x35: {  	p0 =	seq.s32 s19, $0x0;
	[sflag:s25] =	ssyncset.done $0x0  }
0x36: {  	s1 =	simm.s32 @!p0 $0x7;
	[sflag:s25] =	ssyncadd.s32 $0xFFFFC000  }
0x37: {  	_ =	swait.ge @!p0 [sflag:s1], $0x800  }
0x38: {  	[sflag:s1] =	ssyncset.done @!p0 $0x0  }
0x39: {  	[sflag:s1] =	ssyncadd.s32 @!p0 $0xFFFFF800  }
0x3a: {  	[spmem:s6] =	stream.linear.scatter [tilespmem:s18], [sflag:$0x5], $0x4000, $0x38;
	[tilespmem:$0x1E400] =	vst v63  }
0x3b: {  	s15 =	stileid.u32;
	_ =	swait.ge [sflag:s26], $0x4000  }
0x3c: {  	s3 =	sadd.s32 $0x280, s21;
	s8 =	sshrl.u32 s6, $0x3;
	s10 =	rddreg [dreg:$0x7]  }
0x3d: {  	s1 =	sshll.u32 s15, $0x6;
	[sflag:s26] =	ssyncset.done $0x0;
	s0 =	sadd.s32 s2, s10  }
0x3e: {  	s5 =	sor.u32 $0x1C07, s1;
	[sflag:s26] =	ssyncadd.s32 $0xFFFFC000;
	s15 =	sadd.s32 $0x800, s0  }
0x3f: {  	[hbm:s15], [sflag:s5] =	dma.local [spmem:s8], $0x800  }
0x40: {  	[tilespmem:s18], [sflag:$0x2] =	stream.indirect.gather [hbm4b:s4+s16], $0x80, s3, s16, $0xb8;
	[tilespmem:$0x1E400] =	vst v63  }
0x41: {  	_ =	swait.ge [sflag:s28], $0x4000  }
0x42: {  	[sflag:s28] =	ssyncset.done $0x0  }
0x43: {  	s15 =	simm.s32 @!p0 $0x8;
	[sflag:s28] =	ssyncadd.s32 $0xFFFFC000  }
0x44: {  	_ =	swait.ge @!p0 [sflag:s15], $0x800  }
0x45: {  	[sflag:s15] =	ssyncset.done @!p0 $0x0  }
0x46: {  	[sflag:s15] =	ssyncadd.s32 @!p0 $0xFFFFF800  }
0x47: {  	[spmem:s7] =	stream.linear.scatter [tilespmem:s20], [sflag:$0x5], $0x4000, $0x38;
	[tilespmem:$0x1E400] =	vst v63  }
0x48: {  	_ =	swait.ge [sflag:s26], $0x4000  }
0x49: {  	s10 =	sadd.s32 $0x300, s21;
	s3 =	sadd.s32 $0x1000, s0;
	[sflag:s26] =	ssyncset.done $0x0  }
0x4a: {  	s15 =	sor.u32 $0x1C08, s1;
	s1 =	sshrl.u32 s7, $0x3;
	[sflag:s26] =	ssyncadd.s32 $0xFFFFC000  }
0x4b: {  	[hbm:s3], [sflag:s15] =	dma.local [spmem:s1], $0x800  }
0x4c: {  	[tilespmem:s20], [sflag:$0x3] =	stream.indirect.gather [hbm4b:s4+s16], $0x80, s10, s16, $0xb8;
	[tilespmem:$0x1E400] =	vst v63  }
0x4d: {  	_ =	swait.ge [sflag:s29], $0x4000  }
0x4e: {  	[sflag:s29] =	ssyncset.done $0x0  }
0x4f: {  	[sflag:s29] =	ssyncadd.s32 $0xFFFFC000  }
0x50: {  	_ =	swait.ge [sflag:s30], $0x800  }
0x51: {  	[sflag:s30] =	ssyncset.done $0x0  }
0x52: {  	[sflag:s30] =	ssyncadd.s32 $0xFFFFF800  }
0x53: {  	[spmem:s6] =	stream.linear.scatter [tilespmem:s22], [sflag:$0x5], $0x4000, $0x38;
	[tilespmem:$0x1E400] =	vst v63  }
0x54: {  	_ =	swait.ge [sflag:s26], $0x4000  }
0x55: {  	[sflag:s26] =	ssyncset.done $0x0  }
0x56: {  	s0 =	sadd.s32 $0x1800, s0;
	s10 =	sadd.s32 $0x380, s21;
	[sflag:s26] =	ssyncadd.s32 $0xFFFFC000  }
0x57: {  	[hbm:s0], [sflag:s5] =	dma.local [spmem:s8], $0x800  }
0x58: {  	[tilespmem:s22], [sflag:$0x4] =	stream.indirect.gather [hbm4b:s4+s16], $0x80, s10, s16, $0xb8;
	[tilespmem:$0x1E400] =	vst v63  }
0x59: {  	_ =	swait.ge [sflag:s23], $0x4000  }
0x5a: {  	[sflag:s23] =	ssyncset.done $0x0  }
0x5b: {  	s3 =	sadd.s32 s2, s14;
	[sflag:s23] =	ssyncadd.s32 $0xFFFFC000  }
0x5c: {  	[hbm4b:s3+s9] =	stream.linear.scatter [tilespmem:s17], [sflag:$0x6], $0x4000, $0x38;
	[tilespmem:$0x1E400] =	vst v63  }
0x5d: {  	p0 =	seq.s32 s19, $0x18000;
	_ =	swait.ge [sflag:s24], $0x4000  }
0x5e: {  	s0 =	sshra.s32 @!p0 s19, $0x2;
	s10 =	simm.s32 @!p0 $0x6400;
	[sflag:s24] =	ssyncset.done $0x0  }
0x5f: {  	s3 =	sadd.s32 @!p0 $0x400, s0;
	s9 =	simm.s32 @!p0 $0x80;
	[sflag:s24] =	ssyncadd.s32 $0xFFFFC000  }
0x60: {  	[tilespmem:s10], [sflag:$0x1] =	stream.indirect.gather @!p0 [hbm4b:s4+s9], $0x80, s3, s9, $0xb8;
	[tilespmem:$0x1E400] =	vst v63  }
0x61: {  	_ =	swait.ge [sflag:s25], $0x4000  }
0x62: {  	[sflag:s25] =	ssyncset.done $0x0  }
0x63: {  	[sflag:s25] =	ssyncadd.s32 $0xFFFFC000  }
0x64: {  	_ =	swait.ge [sflag:s31], $0x800  }
0x65: {  	[sflag:s31] =	ssyncset.done $0x0  }
0x66: {  	[sflag:s31] =	ssyncadd.s32 $0xFFFFF800  }
0x67: {  	[spmem:s7] =	stream.linear.scatter [tilespmem:s18], [sflag:$0x5], $0x4000, $0x38;
	[tilespmem:$0x1E400] =	vst v63  }
0x68: {  	_ =	swait.ge [sflag:s26], $0x4000  }
0x69: {  	[sflag:s26] =	ssyncset.done $0x0  }
0x6a: {  	s10 =	sadd.s32 s2, s13;
	[sflag:s26] =	ssyncadd.s32 $0xFFFFC000  }
0x6b: {  	[hbm:s10], [sflag:s15] =	dma.local [spmem:s1], $0x800  }
0x6c: {  	s3 =	sadd.s32 @!p0 $0x480, s0;
	s10 =	simm.s32 @!p0 $0xA400  }
0x6d: {  	[tilespmem:s10], [sflag:$0x2] =	stream.indirect.gather @!p0 [hbm4b:s4+s9], $0x80, s3, s9, $0xb8;
	[tilespmem:$0x1E400] =	vst v63  }
0x6e: {  	_ =	swait.ge [sflag:s28], $0x4000  }
0x6f: {  	[sflag:s28] =	ssyncset.done $0x0  }
0x70: {  	[sflag:s28] =	ssyncadd.s32 $0xFFFFC000  }
0x71: {  	_ =	swait.ge [sflag:s30], $0x800  }
0x72: {  	[sflag:s30] =	ssyncset.done $0x0  }
0x73: {  	[sflag:s30] =	ssyncadd.s32 $0xFFFFF800  }
0x74: {  	[spmem:s6] =	stream.linear.scatter [tilespmem:s20], [sflag:$0x5], $0x4000, $0x38;
	[tilespmem:$0x1E400] =	vst v63  }
0x75: {  	_ =	swait.ge [sflag:s26], $0x4000  }
0x76: {  	s0 =	sadd.s32 @!p0 $0x500, s0;
	[sflag:s26] =	ssyncset.done $0x0  }
0x77: {  	s10 =	sadd.s32 s2, s12;
	s3 =	simm.s32 @!p0 $0xE400;
	[sflag:s26] =	ssyncadd.s32 $0xFFFFC000  }
0x78: {  	[hbm:s10], [sflag:s5] =	dma.local [spmem:s8], $0x800  }
0x79: {  	[tilespmem:s3], [sflag:$0x3] =	stream.indirect.gather @!p0 [hbm4b:s4+s9], $0x80, s0, s9, $0xb8;
	[tilespmem:$0x1E400] =	vst v63  }
0x7a: {  	_ =	swait.ge [sflag:s29], $0x4000  }
0x7b: {  	[sflag:s29] =	ssyncset.done $0x0  }
0x7c: {  	[sflag:s29] =	ssyncadd.s32 $0xFFFFC000  }
0x7d: {  	_ =	swait.ge [sflag:s31], $0x800  }
0x7e: {  	[sflag:s31] =	ssyncset.done $0x0  }
0x7f: {  	[sflag:s31] =	ssyncadd.s32 $0xFFFFF800  }
0x80: {  	[spmem:s7] =	stream.linear.scatter [tilespmem:s22], [sflag:$0x5], $0x4000, $0x38;
	[tilespmem:$0x1E400] =	vst v63  }
.Ltmp2:
0x81: {  	_ = 	snop;
	(pc) =	sbr.rel @p0 .LBB2_4-.Ltmp2, $4  }
0x82: {  	_ =	swait.ge [sflag:s26], $0x4000  }
0x83: {  	[sflag:s26] =	ssyncset.done $0x0  }
0x84: {  	s10 =	sadd.s32 s2, s11;
	[sflag:s26] =	ssyncadd.s32 $0xFFFFC000  }
0x85: {  	[hbm:s10], [sflag:s15] =	dma.local [spmem:s1], $0x800  }
.Ltmp3:
0x86: {  	(pc) =	sbr.rel .LBB2_2-.Ltmp3, $3  }
0x87: {  	_ =	sdelay $0x1  }
0x88: {  	s0 =	sadd.s32 $0x580, s21;
	s19 =	sadd.s32 $0x1000, s19;
	s2 =	sadd.s32 $0x4000, s2  }
0x89: {  	[tilespmem:s22], [sflag:$0x4] =	stream.indirect.gather [hbm4b:s4+s16], $0x80, s0, s16, $0xb8;
	[tilespmem:$0x1E400] =	vst v63  }
.LBB2_5:
0x8a: {  	_ =	sfence.sel $0x180000  }
0x8b: {  	[bflag:$0x0] =	sbarrier.arrive $0xFFFF  }
0x8c: {  	_ =	strace $0x90000047  }
0x8d: {  	s0 =	stileid.u32;
	[bflag:$0x2] =	sbarrier.arrive $0xFFFF  }
0x8e: {  	p0 =	sne.s32 s0, $0x0;
	s0 =	rddreg [dreg:$0x3]  }
0x8f: {  	s0 =	sadd.s32 @!p0 $0x100000, s0  }
0x90: {  	[sflag:s0] =	ssyncadd.tile.s32 @!p0 $0x1;
	_ =	shalt  }
.Lfunc_end2:
_tile_overlayer_lowered:
.L_overlay_start_2:
0x91: {  	(tag) =	ssettag $0x2  }
0x92: {  	s0 =	rddreg [dreg:$0x0];
	s2 =	stileid.u32  }
0x93: {  	s1 =	rddreg [dreg:$0x1];
	p0 =	sne.s32 s2, $0x0  }
0x94: {  	s3 =	rddreg [dreg:$0x2];
	[bflag:$0x3] =	sbarrier.arrive $0xFFFF;
	s2 =	simm.s32 @!p0 $0x1C09  }
0x95: {  	[timem:s3], [sflag:s2] =	dma.local @!p0 [hbm:s0], s1  }
0x96: {  	s0 =	simm.s32 @!p0 $0x9  }
0x97: {  	_ =	swait.ge @!p0 [sflag:s0], s1  }
0x98: {  	s1 =	ssub.s32 @!p0 $0x0, s1;
	[sflag:s0] =	ssyncset.done @!p0 $0x0  }
0x99: {  	[sflag:s0] =	ssyncadd.s32 @!p0 s1  }
0x9a: {  	[bflag:$0x3] =	sbarrier.arrive $0xFFFF  }
0x9b: {  	_ =	shalt  }

</sc_bundles>
